<compile_context>
chip_gen: v7x
topology: tpu7x:2x2x1
jax: 0.10.2.dev20260603
libtpu: 0.0.44.dev20260713+nightly
codegen_flags: <defaults>
</compile_context>

<pallas_src>
import functools

import jax
import jax.numpy as jnp
from jax import lax
from jax.experimental import pallas as pl
from jax.experimental.pallas import tpu as pltpu
from jax.experimental.pallas import tpu_sc as plsc

POSITIONS = 200
BATCH = 16384
FLAT = POSITIONS * BATCH
NCORES = 2
NSUB = 16
LANES = 16

PER_WORKER = FLAT // (NCORES * NSUB)
ZBUF = 6400
NZDMA = PER_WORKER // ZBUF
ZUNROLL = 8
CHUNK = BATCH // NSUB
NIDX = CHUNK // 128


def _sc_onehot(inp_hbm, out_hbm, zbuf, zshared, idx_v, off_v, ones_v, zsem, ssem):
    cid = lax.axis_index("c")
    sid = lax.axis_index("s")
    region = (cid * NSUB + sid) * PER_WORKER

    def _zero_body(i, carry):
        for m in range(ZUNROLL):
            zbuf[pl.ds(i * (LANES * ZUNROLL) + m * LANES, LANES)] = jnp.zeros(
                (LANES,), jnp.float32
            )
        return carry

    lax.fori_loop(0, ZBUF // (LANES * ZUNROLL), _zero_body, 0)

    pltpu.sync_copy(zbuf, zshared.at[pl.ds(sid * ZBUF, ZBUF)])

    pltpu.sync_copy(inp_hbm.at[pl.ds(sid * CHUNK, CHUNK)], idx_v)
    iota = lax.broadcasted_iota(jnp.int32, (LANES,), 0)
    base = sid * CHUNK
    for k in range(CHUNK // LANES):
        vals = idx_v[pl.ds(k * LANES, LANES)]
        off = vals * BATCH + (base + k * LANES + iota)
        off_v[k // 8, pl.ds((k % 8) * LANES, LANES)] = off
    for m in range(128 // LANES):
        ones_v[pl.ds(m * LANES, LANES)] = jnp.full((LANES,), 1.0, jnp.float32)

    plsc.subcore_barrier()
    pltpu.async_copy(zshared, out_hbm.at[pl.ds(region, PER_WORKER)], zsem).wait()
    plsc.subcore_barrier()

    scopies = [
        pltpu.async_copy(ones_v, out_hbm.at[off_v.at[j]], ssem)
        for j in range(NIDX)
    ]
    for c in scopies:
        c.wait()


@functools.partial(jax.jit, donate_argnums=())
def kernel(inputs):
    k = functools.partial(
        pl.kernel,
        mesh=plsc.VectorSubcoreMesh(core_axis_name="c", subcore_axis_name="s"),
        out_type=jax.ShapeDtypeStruct((FLAT,), jnp.float32),
        scratch_types=[
            pltpu.VMEM((ZBUF,), jnp.float32),
            pltpu.VMEM_SHARED((PER_WORKER,), jnp.float32),
            pltpu.VMEM((CHUNK,), jnp.int32),
            pltpu.VMEM((NIDX, 128), jnp.int32),
            pltpu.VMEM((128,), jnp.float32),
            pltpu.SemaphoreType.DMA,
            pltpu.SemaphoreType.DMA,
        ],
    )(_sc_onehot)
    out_flat = k(inputs)
    return out_flat.reshape(POSITIONS, BATCH).T

# --- scband reference (transcript-rebuilt; emitter-appended) ---
"""Pipeline reference for scband-position-mapping-layer-87419764342784 (READ-ONLY COPY).

The authoritative reference and input builder live on the scoring server;
editing this copy changes nothing except your own understanding.
"""

import jax, jax.numpy as jnp
import numpy as np

POSITION_NUMBER = 200


def setup_inputs(seed: int = 0) -> dict:
    key = jax.random.key(seed)
    # training-path input: a flat vector of values, each guaranteed to be a
    # member of position_array = [0, 1, ..., 199]
    inputs = jax.random.randint(key, (16384,), 0, POSITION_NUMBER, dtype=jnp.int32)
    return {"inputs": inputs}


def reference(inputs):
    # Faithful translation of the training branch of PositionMappingLayer.call:
    #   position_value = expand_dims(inputs.values, 1)
    #   is_present check (values must exist in position_array) -- values are
    #   constructed in-range so the assert trivially holds.
    #   indices = index of each value within position_array
    #   one_hot -> reshape -> cast float32
    slots = jnp.arange(POSITION_NUMBER, dtype=inputs.dtype)  # _position_slot_tensor
    position_value = inputs[:, None]                          # [B, 1]
    eq = position_value == slots[None, :]                     # [B, P]
    # tf.where over the slot tensor picks the matching index; since each value
    # occurs exactly once in position_array, argmax of the equality mask is
    # exactly that index.
    indices = jnp.argmax(eq, axis=1)                          # [B]
    one_hot = jax.nn.one_hot(indices, POSITION_NUMBER, dtype=jnp.float32)
    one_hot = jnp.reshape(one_hot, (-1, POSITION_NUMBER))
    return one_hot

if __name__ == "__main__":
    import jax
    _d = setup_inputs()
    print(jax.jit(kernel)(*tuple(_d.values())))

</pallas_src>

<mosaic_0001>
#map = affine_map<(d0, d1) -> (0)>
module attributes {stable_mosaic.version = 14 : i64} {
  func.func @_sc_onehot(%arg0: i32, %arg1: i32, %arg2: memref<16384xi32, #tpu.memory_space<hbm>>, %arg3: memref<3276800xf32, #tpu.memory_space<hbm>>, %arg4: memref<6400xf32, #tpu.memory_space<vmem>>, %arg5: memref<102400xf32, #tpu.memory_space<vmem_shared>>, %arg6: memref<1024xi32, #tpu.memory_space<vmem>>, %arg7: memref<8x128xi32, #tpu.memory_space<vmem>>, %arg8: memref<128xf32, #tpu.memory_space<vmem>>, %arg9: memref<!tpu.dma_semaphore, #tpu.memory_space<semaphore_mem>>, %arg10: memref<!tpu.dma_semaphore, #tpu.memory_space<semaphore_mem>>) attributes {dimension_semantics = [#tpu.dimension_semantics<core_parallel>, #tpu.dimension_semantics<subcore_parallel>], iteration_bounds = array<i64: 2, 16>, scalar_prefetch = 0 : i64, scratch_operands = 7 : i64, tpu.core_type = #tpu.core_type<sc_vector_subcore>, window_params = [{transform_indices = #map}, {transform_indices = #map}]} {
    %mul3A = arith.constant 16 : i32
    %mul3A_0 = arith.muli %arg0, %mul3A : i32
    %add3A = arith.addi %mul3A_0, %arg1 : i32
    %mul3A_1 = arith.constant 102400 : i32
    %mul3A_2 = arith.muli %add3A, %mul3A_1 : i32
    %scan3A = arith.constant 0 : i32
    %scan3A_3 = arith.constant 0 : i32
    %scan3A_4 = arith.constant 50 : i32
    %scan3A_5 = arith.addi %scan3A_3, %scan3A_4 : i32
    %scan3A_6 = arith.constant 1 : i32
    scf.for %scan3A_1244 = %scan3A_3 to %scan3A_5 step %scan3A_6  : i32 {
      %broadcast_in_dim3A_1245 = arith.constant 0.000000e+00 : f32
      %broadcast_in_dim3A_1246 = vector.broadcast %broadcast_in_dim3A_1245 : f32 to vector<16xf32>
      %mul3A_1247 = arith.constant 128 : i32
      %mul3A_1248 = arith.muli %scan3A_1244, %mul3A_1247 : i32
      %add3A_1249 = arith.constant 0 : i32
      %add3A_1250 = arith.addi %mul3A_1248, %add3A_1249 : i32
      %swap3A_1251 = arith.index_cast %add3A_1250 : i32 to index
      %swap3A_1252 = tpu.vector_load %arg4[%swap3A_1251] {strides = array<i32>} : memref<6400xf32, #tpu.memory_space<vmem>>, vector<16xf32>,
      %swap3A_1253 = vector.shape_cast %swap3A_1252 : vector<16xf32> to vector<16xf32>
      %swap3A_1254 = vector.shape_cast %broadcast_in_dim3A_1246 : vector<16xf32> to vector<16xf32>
      tpu.vector_store %arg4[%swap3A_1251], %swap3A_1254 {strides = array<i32>} : memref<6400xf32, #tpu.memory_space<vmem>>, vector<16xf32>,
      %broadcast_in_dim3A_1255 = arith.constant 0.000000e+00 : f32
      %broadcast_in_dim3A_1256 = vector.broadcast %broadcast_in_dim3A_1255 : f32 to vector<16xf32>
      %mul3A_1257 = arith.constant 128 : i32
      %mul3A_1258 = arith.muli %scan3A_1244, %mul3A_1257 : i32
      %add3A_1259 = arith.constant 16 : i32
      %add3A_1260 = arith.addi %mul3A_1258, %add3A_1259 : i32
      %swap3A_1261 = arith.index_cast %add3A_1260 : i32 to index
      %swap3A_1262 = tpu.vector_load %arg4[%swap3A_1261] {strides = array<i32>} : memref<6400xf32, #tpu.memory_space<vmem>>, vector<16xf32>,
      %swap3A_1263 = vector.shape_cast %swap3A_1262 : vector<16xf32> to vector<16xf32>
      %swap3A_1264 = vector.shape_cast %broadcast_in_dim3A_1256 : vector<16xf32> to vector<16xf32>
      tpu.vector_store %arg4[%swap3A_1261], %swap3A_1264 {strides = array<i32>} : memref<6400xf32, #tpu.memory_space<vmem>>, vector<16xf32>,
      %broadcast_in_dim3A_1265 = arith.constant 0.000000e+00 : f32
      %broadcast_in_dim3A_1266 = vector.broadcast %broadcast_in_dim3A_1265 : f32 to vector<16xf32>
      %mul3A_1267 = arith.constant 128 : i32
      %mul3A_1268 = arith.muli %scan3A_1244, %mul3A_1267 : i32
      %add3A_1269 = arith.constant 32 : i32
      %add3A_1270 = arith.addi %mul3A_1268, %add3A_1269 : i32
      %swap3A_1271 = arith.index_cast %add3A_1270 : i32 to index
      %swap3A_1272 = tpu.vector_load %arg4[%swap3A_1271] {strides = array<i32>} : memref<6400xf32, #tpu.memory_space<vmem>>, vector<16xf32>,
      %swap3A_1273 = vector.shape_cast %swap3A_1272 : vector<16xf32> to vector<16xf32>
      %swap3A_1274 = vector.shape_cast %broadcast_in_dim3A_1266 : vector<16xf32> to vector<16xf32>
      tpu.vector_store %arg4[%swap3A_1271], %swap3A_1274 {strides = array<i32>} : memref<6400xf32, #tpu.memory_space<vmem>>, vector<16xf32>,
      %broadcast_in_dim3A_1275 = arith.constant 0.000000e+00 : f32
      %broadcast_in_dim3A_1276 = vector.broadcast %broadcast_in_dim3A_1275 : f32 to vector<16xf32>
      %mul3A_1277 = arith.constant 128 : i32
      %mul3A_1278 = arith.muli %scan3A_1244, %mul3A_1277 : i32
      %add3A_1279 = arith.constant 48 : i32
      %add3A_1280 = arith.addi %mul3A_1278, %add3A_1279 : i32
      %swap3A_1281 = arith.index_cast %add3A_1280 : i32 to index
      %swap3A_1282 = tpu.vector_load %arg4[%swap3A_1281] {strides = array<i32>} : memref<6400xf32, #tpu.memory_space<vmem>>, vector<16xf32>,
      %swap3A_1283 = vector.shape_cast %swap3A_1282 : vector<16xf32> to vector<16xf32>
      %swap3A_1284 = vector.shape_cast %broadcast_in_dim3A_1276 : vector<16xf32> to vector<16xf32>
      tpu.vector_store %arg4[%swap3A_1281], %swap3A_1284 {strides = array<i32>} : memref<6400xf32, #tpu.memory_space<vmem>>, vector<16xf32>,
      %broadcast_in_dim3A_1285 = arith.constant 0.000000e+00 : f32
      %broadcast_in_dim3A_1286 = vector.broadcast %broadcast_in_dim3A_1285 : f32 to vector<16xf32>
      %mul3A_1287 = arith.constant 128 : i32
      %mul3A_1288 = arith.muli %scan3A_1244, %mul3A_1287 : i32
      %add3A_1289 = arith.constant 64 : i32
      %add3A_1290 = arith.addi %mul3A_1288, %add3A_1289 : i32
      %swap3A_1291 = arith.index_cast %add3A_1290 : i32 to index
      %swap3A_1292 = tpu.vector_load %arg4[%swap3A_1291] {strides = array<i32>} : memref<6400xf32, #tpu.memory_space<vmem>>, vector<16xf32>,
      %swap3A_1293 = vector.shape_cast %swap3A_1292 : vector<16xf32> to vector<16xf32>
      %swap3A_1294 = vector.shape_cast %broadcast_in_dim3A_1286 : vector<16xf32> to vector<16xf32>
      tpu.vector_store %arg4[%swap3A_1291], %swap3A_1294 {strides = array<i32>} : memref<6400xf32, #tpu.memory_space<vmem>>, vector<16xf32>,
      %broadcast_in_dim3A_1295 = arith.constant 0.000000e+00 : f32
      %broadcast_in_dim3A_1296 = vector.broadcast %broadcast_in_dim3A_1295 : f32 to vector<16xf32>
      %mul3A_1297 = arith.constant 128 : i32
      %mul3A_1298 = arith.muli %scan3A_1244, %mul3A_1297 : i32
      %add3A_1299 = arith.constant 80 : i32
      %add3A_1300 = arith.addi %mul3A_1298, %add3A_1299 : i32
      %swap3A_1301 = arith.index_cast %add3A_1300 : i32 to index
      %swap3A_1302 = tpu.vector_load %arg4[%swap3A_1301] {strides = array<i32>} : memref<6400xf32, #tpu.memory_space<vmem>>, vector<16xf32>,
      %swap3A_1303 = vector.shape_cast %swap3A_1302 : vector<16xf32> to vector<16xf32>
      %swap3A_1304 = vector.shape_cast %broadcast_in_dim3A_1296 : vector<16xf32> to vector<16xf32>
      tpu.vector_store %arg4[%swap3A_1301], %swap3A_1304 {strides = array<i32>} : memref<6400xf32, #tpu.memory_space<vmem>>, vector<16xf32>,
      %broadcast_in_dim3A_1305 = arith.constant 0.000000e+00 : f32
      %broadcast_in_dim3A_1306 = vector.broadcast %broadcast_in_dim3A_1305 : f32 to vector<16xf32>
      %mul3A_1307 = arith.constant 128 : i32
      %mul3A_1308 = arith.muli %scan3A_1244, %mul3A_1307 : i32
      %add3A_1309 = arith.constant 96 : i32
      %add3A_1310 = arith.addi %mul3A_1308, %add3A_1309 : i32
      %swap3A_1311 = arith.index_cast %add3A_1310 : i32 to index
      %swap3A_1312 = tpu.vector_load %arg4[%swap3A_1311] {strides = array<i32>} : memref<6400xf32, #tpu.memory_space<vmem>>, vector<16xf32>,
      %swap3A_1313 = vector.shape_cast %swap3A_1312 : vector<16xf32> to vector<16xf32>
      %swap3A_1314 = vector.shape_cast %broadcast_in_dim3A_1306 : vector<16xf32> to vector<16xf32>
      tpu.vector_store %arg4[%swap3A_1311], %swap3A_1314 {strides = array<i32>} : memref<6400xf32, #tpu.memory_space<vmem>>, vector<16xf32>,
      %broadcast_in_dim3A_1315 = arith.constant 0.000000e+00 : f32
      %broadcast_in_dim3A_1316 = vector.broadcast %broadcast_in_dim3A_1315 : f32 to vector<16xf32>
      %mul3A_1317 = arith.constant 128 : i32
      %mul3A_1318 = arith.muli %scan3A_1244, %mul3A_1317 : i32
      %add3A_1319 = arith.constant 112 : i32
      %add3A_1320 = arith.addi %mul3A_1318, %add3A_1319 : i32
      %swap3A_1321 = arith.index_cast %add3A_1320 : i32 to index
      %swap3A_1322 = tpu.vector_load %arg4[%swap3A_1321] {strides = array<i32>} : memref<6400xf32, #tpu.memory_space<vmem>>, vector<16xf32>,
      %swap3A_1323 = vector.shape_cast %swap3A_1322 : vector<16xf32> to vector<16xf32>
      %swap3A_1324 = vector.shape_cast %broadcast_in_dim3A_1316 : vector<16xf32> to vector<16xf32>
      tpu.vector_store %arg4[%swap3A_1321], %swap3A_1324 {strides = array<i32>} : memref<6400xf32, #tpu.memory_space<vmem>>, vector<16xf32>,
    }
    %scan3A_7 = arith.constant 50 : i32
    %mul3A_8 = arith.constant 6400 : i32
    %mul3A_9 = arith.muli %arg1, %mul3A_8 : i32
    "tpu.region"() ({
      %run_scoped3A = tpu.sem_alloc : memref<!tpu.dma_semaphore, #tpu.memory_space<semaphore_mem>>
      %dma_start3A_1244 = tpu.memref_slice %arg5[%mul3A_9] : memref<102400xf32, #tpu.memory_space<vmem_shared>> -> memref<6400xf32, #tpu.memory_space<vmem_shared>>
      %dma_start3A_1245 = tpu.memref_slice %arg5[%mul3A_9] : memref<102400xf32, #tpu.memory_space<vmem_shared>> -> memref<6400xf32, #tpu.memory_space<vmem_shared>>
      tpu.enqueue_dma source(%arg4 : memref<6400xf32, #tpu.memory_space<vmem>>) target(%dma_start3A_1245 : memref<6400xf32, #tpu.memory_space<vmem_shared>>) target_semaphore(%run_scoped3A : memref<!tpu.dma_semaphore, #tpu.memory_space<semaphore_mem>>)
      %dma_wait3A_1246 = tpu.memref_slice %arg5[%mul3A_9] : memref<102400xf32, #tpu.memory_space<vmem_shared>> -> memref<6400xf32, #tpu.memory_space<vmem_shared>>
      %dma_wait3A_1247 = tpu.memref_slice %arg5[%mul3A_9] : memref<102400xf32, #tpu.memory_space<vmem_shared>> -> memref<6400xf32, #tpu.memory_space<vmem_shared>>
      tpu.wait_dma2 semaphore(%run_scoped3A : memref<!tpu.dma_semaphore, #tpu.memory_space<semaphore_mem>>) src(%arg4 : memref<6400xf32, #tpu.memory_space<vmem>>) dst(%dma_wait3A_1247 : memref<6400xf32, #tpu.memory_space<vmem_shared>>)
      tpu.yield
    }) : () -> ()
    %mul3A_10 = arith.constant 1024 : i32
    %mul3A_11 = arith.muli %arg1, %mul3A_10 : i32
    "tpu.region"() ({
      %run_scoped3A = tpu.sem_alloc : memref<!tpu.dma_semaphore, #tpu.memory_space<semaphore_mem>>
      %dma_start3A_1244 = tpu.memref_slice %arg2[%mul3A_11] : memref<16384xi32, #tpu.memory_space<hbm>> -> memref<1024xi32, #tpu.memory_space<hbm>>
      %dma_start3A_1245 = tpu.memref_slice %arg2[%mul3A_11] : memref<16384xi32, #tpu.memory_space<hbm>> -> memref<1024xi32, #tpu.memory_space<hbm>>
      tpu.enqueue_dma source(%dma_start3A_1245 : memref<1024xi32, #tpu.memory_space<hbm>>) target(%arg6 : memref<1024xi32, #tpu.memory_space<vmem>>) target_semaphore(%run_scoped3A : memref<!tpu.dma_semaphore, #tpu.memory_space<semaphore_mem>>)
      %dma_wait3A_1246 = tpu.memref_slice %arg2[%mul3A_11] : memref<16384xi32, #tpu.memory_space<hbm>> -> memref<1024xi32, #tpu.memory_space<hbm>>
      %dma_wait3A_1247 = tpu.memref_slice %arg2[%mul3A_11] : memref<16384xi32, #tpu.memory_space<hbm>> -> memref<1024xi32, #tpu.memory_space<hbm>>
      tpu.wait_dma2 semaphore(%run_scoped3A : memref<!tpu.dma_semaphore, #tpu.memory_space<semaphore_mem>>) src(%dma_wait3A_1247 : memref<1024xi32, #tpu.memory_space<hbm>>) dst(%arg6 : memref<1024xi32, #tpu.memory_space<vmem>>)
      tpu.yield
    }) : () -> ()
    %iota3A = tpu.iota {dimensions = array<i32: 0>} : vector<16xi32>
    %mul3A_12 = arith.constant 1024 : i32
    %mul3A_13 = arith.muli %arg1, %mul3A_12 : i32
    %get3A = arith.constant 0 : index
    %get3A_14 = tpu.vector_load %arg6[%get3A] {strides = array<i32>} : memref<1024xi32, #tpu.memory_space<vmem>>, vector<16xi32>,
    %get3A_15 = vector.shape_cast %get3A_14 : vector<16xi32> to vector<16xi32>
    %mul3A_16 = arith.constant 16384 : i32
    %mul3A_17 = vector.broadcast %mul3A_16 : i32 to vector<16xi32>
    %mul3A_18 = arith.muli %get3A_15, %mul3A_17 : vector<16xi32>
    %add3A_19 = arith.constant 0 : i32
    %add3A_20 = arith.addi %mul3A_13, %add3A_19 : i32
    %add3A_21 = vector.broadcast %add3A_20 : i32 to vector<16xi32>
    %add3A_22 = arith.addi %add3A_21, %iota3A : vector<16xi32>
    %add3A_23 = arith.addi %mul3A_18, %add3A_22 : vector<16xi32>
    %swap3A = arith.constant 0 : i32
    %swap3A_24 = arith.index_cast %swap3A : i32 to index
    %swap3A_25 = arith.constant 0 : index
    %swap3A_26 = tpu.vector_load %arg7[%swap3A_24, %swap3A_25] {strides = array<i32>} : memref<8x128xi32, #tpu.memory_space<vmem>>, vector<1x16xi32>,
    %swap3A_27 = vector.shape_cast %swap3A_26 : vector<1x16xi32> to vector<16xi32>
    %swap3A_28 = vector.shape_cast %add3A_23 : vector<16xi32> to vector<1x16xi32>
    tpu.vector_store %arg7[%swap3A_24, %swap3A_25], %swap3A_28 {strides = array<i32>} : memref<8x128xi32, #tpu.memory_space<vmem>>, vector<1x16xi32>,
    %get3A_29 = arith.constant 16 : index
    %get3A_30 = tpu.vector_load %arg6[%get3A_29] {strides = array<i32>} : memref<1024xi32, #tpu.memory_space<vmem>>, vector<16xi32>,
    %get3A_31 = vector.shape_cast %get3A_30 : vector<16xi32> to vector<16xi32>
    %mul3A_32 = arith.constant 16384 : i32
    %mul3A_33 = vector.broadcast %mul3A_32 : i32 to vector<16xi32>
    %mul3A_34 = arith.muli %get3A_31, %mul3A_33 : vector<16xi32>
    %add3A_35 = arith.constant 16 : i32
    %add3A_36 = arith.addi %mul3A_13, %add3A_35 : i32
    %add3A_37 = vector.broadcast %add3A_36 : i32 to vector<16xi32>
    %add3A_38 = arith.addi %add3A_37, %iota3A : vector<16xi32>
    %add3A_39 = arith.addi %mul3A_34, %add3A_38 : vector<16xi32>
    %swap3A_40 = arith.constant 0 : i32
    %swap3A_41 = arith.index_cast %swap3A_40 : i32 to index
    %swap3A_42 = arith.constant 16 : index
    %swap3A_43 = tpu.vector_load %arg7[%swap3A_41, %swap3A_42] {strides = array<i32>} : memref<8x128xi32, #tpu.memory_space<vmem>>, vector<1x16xi32>,
    %swap3A_44 = vector.shape_cast %swap3A_43 : vector<1x16xi32> to vector<16xi32>
    %swap3A_45 = vector.shape_cast %add3A_39 : vector<16xi32> to vector<1x16xi32>
    tpu.vector_store %arg7[%swap3A_41, %swap3A_42], %swap3A_45 {strides = array<i32>} : memref<8x128xi32, #tpu.memory_space<vmem>>, vector<1x16xi32>,
    %get3A_46 = arith.constant 32 : index
    %get3A_47 = tpu.vector_load %arg6[%get3A_46] {strides = array<i32>} : memref<1024xi32, #tpu.memory_space<vmem>>, vector<16xi32>,
    %get3A_48 = vector.shape_cast %get3A_47 : vector<16xi32> to vector<16xi32>
    %mul3A_49 = arith.constant 16384 : i32
    %mul3A_50 = vector.broadcast %mul3A_49 : i32 to vector<16xi32>
    %mul3A_51 = arith.muli %get3A_48, %mul3A_50 : vector<16xi32>
    %add3A_52 = arith.constant 32 : i32
    %add3A_53 = arith.addi %mul3A_13, %add3A_52 : i32
    %add3A_54 = vector.broadcast %add3A_53 : i32 to vector<16xi32>
    %add3A_55 = arith.addi %add3A_54, %iota3A : vector<16xi32>
    %add3A_56 = arith.addi %mul3A_51, %add3A_55 : vector<16xi32>
    %swap3A_57 = arith.constant 0 : i32
    %swap3A_58 = arith.index_cast %swap3A_57 : i32 to index
    %swap3A_59 = arith.constant 32 : index
    %swap3A_60 = tpu.vector_load %arg7[%swap3A_58, %swap3A_59] {strides = array<i32>} : memref<8x128xi32, #tpu.memory_space<vmem>>, vector<1x16xi32>,
    %swap3A_61 = vector.shape_cast %swap3A_60 : vector<1x16xi32> to vector<16xi32>
    %swap3A_62 = vector.shape_cast %add3A_56 : vector<16xi32> to vector<1x16xi32>
    tpu.vector_store %arg7[%swap3A_58, %swap3A_59], %swap3A_62 {strides = array<i32>} : memref<8x128xi32, #tpu.memory_space<vmem>>, vector<1x16xi32>,
    %get3A_63 = arith.constant 48 : index
    %get3A_64 = tpu.vector_load %arg6[%get3A_63] {strides = array<i32>} : memref<1024xi32, #tpu.memory_space<vmem>>, vector<16xi32>,
    %get3A_65 = vector.shape_cast %get3A_64 : vector<16xi32> to vector<16xi32>
    %mul3A_66 = arith.constant 16384 : i32
    %mul3A_67 = vector.broadcast %mul3A_66 : i32 to vector<16xi32>
    %mul3A_68 = arith.muli %get3A_65, %mul3A_67 : vector<16xi32>
    %add3A_69 = arith.constant 48 : i32
    %add3A_70 = arith.addi %mul3A_13, %add3A_69 : i32
    %add3A_71 = vector.broadcast %add3A_70 : i32 to vector<16xi32>
    %add3A_72 = arith.addi %add3A_71, %iota3A : vector<16xi32>
    %add3A_73 = arith.addi %mul3A_68, %add3A_72 : vector<16xi32>
    %swap3A_74 = arith.constant 0 : i32
    %swap3A_75 = arith.index_cast %swap3A_74 : i32 to index
    %swap3A_76 = arith.constant 48 : index
    %swap3A_77 = tpu.vector_load %arg7[%swap3A_75, %swap3A_76] {strides = array<i32>} : memref<8x128xi32, #tpu.memory_space<vmem>>, vector<1x16xi32>,
    %swap3A_78 = vector.shape_cast %swap3A_77 : vector<1x16xi32> to vector<16xi32>
    %swap3A_79 = vector.shape_cast %add3A_73 : vector<16xi32> to vector<1x16xi32>
    tpu.vector_store %arg7[%swap3A_75, %swap3A_76], %swap3A_79 {strides = array<i32>} : memref<8x128xi32, #tpu.memory_space<vmem>>, vector<1x16xi32>,
    %get3A_80 = arith.constant 64 : index
    %get3A_81 = tpu.vector_load %arg6[%get3A_80] {strides = array<i32>} : memref<1024xi32, #tpu.memory_space<vmem>>, vector<16xi32>,
    %get3A_82 = vector.shape_cast %get3A_81 : vector<16xi32> to vector<16xi32>
    %mul3A_83 = arith.constant 16384 : i32
    %mul3A_84 = vector.broadcast %mul3A_83 : i32 to vector<16xi32>
    %mul3A_85 = arith.muli %get3A_82, %mul3A_84 : vector<16xi32>
    %add3A_86 = arith.constant 64 : i32
    %add3A_87 = arith.addi %mul3A_13, %add3A_86 : i32
    %add3A_88 = vector.broadcast %add3A_87 : i32 to vector<16xi32>
    %add3A_89 = arith.addi %add3A_88, %iota3A : vector<16xi32>
    %add3A_90 = arith.addi %mul3A_85, %add3A_89 : vector<16xi32>
    %swap3A_91 = arith.constant 0 : i32
    %swap3A_92 = arith.index_cast %swap3A_91 : i32 to index
    %swap3A_93 = arith.constant 64 : index
    %swap3A_94 = tpu.vector_load %arg7[%swap3A_92, %swap3A_93] {strides = array<i32>} : memref<8x128xi32, #tpu.memory_space<vmem>>, vector<1x16xi32>,
    %swap3A_95 = vector.shape_cast %swap3A_94 : vector<1x16xi32> to vector<16xi32>
    %swap3A_96 = vector.shape_cast %add3A_90 : vector<16xi32> to vector<1x16xi32>
    tpu.vector_store %arg7[%swap3A_92, %swap3A_93], %swap3A_96 {strides = array<i32>} : memref<8x128xi32, #tpu.memory_space<vmem>>, vector<1x16xi32>,
    %get3A_97 = arith.constant 80 : index
    %get3A_98 = tpu.vector_load %arg6[%get3A_97] {strides = array<i32>} : memref<1024xi32, #tpu.memory_space<vmem>>, vector<16xi32>,
    %get3A_99 = vector.shape_cast %get3A_98 : vector<16xi32> to vector<16xi32>
    %mul3A_100 = arith.constant 16384 : i32
    %mul3A_101 = vector.broadcast %mul3A_100 : i32 to vector<16xi32>
    %mul3A_102 = arith.muli %get3A_99, %mul3A_101 : vector<16xi32>
    %add3A_103 = arith.constant 80 : i32
    %add3A_104 = arith.addi %mul3A_13, %add3A_103 : i32
    %add3A_105 = vector.broadcast %add3A_104 : i32 to vector<16xi32>
    %add3A_106 = arith.addi %add3A_105, %iota3A : vector<16xi32>
    %add3A_107 = arith.addi %mul3A_102, %add3A_106 : vector<16xi32>
    %swap3A_108 = arith.constant 0 : i32
    %swap3A_109 = arith.index_cast %swap3A_108 : i32 to index
    %swap3A_110 = arith.constant 80 : index
    %swap3A_111 = tpu.vector_load %arg7[%swap3A_109, %swap3A_110] {strides = array<i32>} : memref<8x128xi32, #tpu.memory_space<vmem>>, vector<1x16xi32>,
    %swap3A_112 = vector.shape_cast %swap3A_111 : vector<1x16xi32> to vector<16xi32>
    %swap3A_113 = vector.shape_cast %add3A_107 : vector<16xi32> to vector<1x16xi32>
    tpu.vector_store %arg7[%swap3A_109, %swap3A_110], %swap3A_113 {strides = array<i32>} : memref<8x128xi32, #tpu.memory_space<vmem>>, vector<1x16xi32>,
    %get3A_114 = arith.constant 96 : index
    %get3A_115 = tpu.vector_load %arg6[%get3A_114] {strides = array<i32>} : memref<1024xi32, #tpu.memory_space<vmem>>, vector<16xi32>,
    %get3A_116 = vector.shape_cast %get3A_115 : vector<16xi32> to vector<16xi32>
    %mul3A_117 = arith.constant 16384 : i32
    %mul3A_118 = vector.broadcast %mul3A_117 : i32 to vector<16xi32>
    %mul3A_119 = arith.muli %get3A_116, %mul3A_118 : vector<16xi32>
    %add3A_120 = arith.constant 96 : i32
    %add3A_121 = arith.addi %mul3A_13, %add3A_120 : i32
    %add3A_122 = vector.broadcast %add3A_121 : i32 to vector<16xi32>
    %add3A_123 = arith.addi %add3A_122, %iota3A : vector<16xi32>
    %add3A_124 = arith.addi %mul3A_119, %add3A_123 : vector<16xi32>
    %swap3A_125 = arith.constant 0 : i32
    %swap3A_126 = arith.index_cast %swap3A_125 : i32 to index
    %swap3A_127 = arith.constant 96 : index
    %swap3A_128 = tpu.vector_load %arg7[%swap3A_126, %swap3A_127] {strides = array<i32>} : memref<8x128xi32, #tpu.memory_space<vmem>>, vector<1x16xi32>,
    %swap3A_129 = vector.shape_cast %swap3A_128 : vector<1x16xi32> to vector<16xi32>
    %swap3A_130 = vector.shape_cast %add3A_124 : vector<16xi32> to vector<1x16xi32>
    tpu.vector_store %arg7[%swap3A_126, %swap3A_127], %swap3A_130 {strides = array<i32>} : memref<8x128xi32, #tpu.memory_space<vmem>>, vector<1x16xi32>,
    %get3A_131 = arith.constant 112 : index
    %get3A_132 = tpu.vector_load %arg6[%get3A_131] {strides = array<i32>} : memref<1024xi32, #tpu.memory_space<vmem>>, vector<16xi32>,
    %get3A_133 = vector.shape_cast %get3A_132 : vector<16xi32> to vector<16xi32>
    %mul3A_134 = arith.constant 16384 : i32
    %mul3A_135 = vector.broadcast %mul3A_134 : i32 to vector<16xi32>
    %mul3A_136 = arith.muli %get3A_133, %mul3A_135 : vector<16xi32>
    %add3A_137 = arith.constant 112 : i32
    %add3A_138 = arith.addi %mul3A_13, %add3A_137 : i32
    %add3A_139 = vector.broadcast %add3A_138 : i32 to vector<16xi32>
    %add3A_140 = arith.addi %add3A_139, %iota3A : vector<16xi32>
    %add3A_141 = arith.addi %mul3A_136, %add3A_140 : vector<16xi32>
    %swap3A_142 = arith.constant 0 : i32
    %swap3A_143 = arith.index_cast %swap3A_142 : i32 to index
    %swap3A_144 = arith.constant 112 : index
    %swap3A_145 = tpu.vector_load %arg7[%swap3A_143, %swap3A_144] {strides = array<i32>} : memref<8x128xi32, #tpu.memory_space<vmem>>, vector<1x16xi32>,
    %swap3A_146 = vector.shape_cast %swap3A_145 : vector<1x16xi32> to vector<16xi32>
    %swap3A_147 = vector.shape_cast %add3A_141 : vector<16xi32> to vector<1x16xi32>
    tpu.vector_store %arg7[%swap3A_143, %swap3A_144], %swap3A_147 {strides = array<i32>} : memref<8x128xi32, #tpu.memory_space<vmem>>, vector<1x16xi32>,
    %get3A_148 = arith.constant 128 : index
    %get3A_149 = tpu.vector_load %arg6[%get3A_148] {strides = array<i32>} : memref<1024xi32, #tpu.memory_space<vmem>>, vector<16xi32>,
    %get3A_150 = vector.shape_cast %get3A_149 : vector<16xi32> to vector<16xi32>
    %mul3A_151 = arith.constant 16384 : i32
    %mul3A_152 = vector.broadcast %mul3A_151 : i32 to vector<16xi32>
    %mul3A_153 = arith.muli %get3A_150, %mul3A_152 : vector<16xi32>
    %add3A_154 = arith.constant 128 : i32
    %add3A_155 = arith.addi %mul3A_13, %add3A_154 : i32
    %add3A_156 = vector.broadcast %add3A_155 : i32 to vector<16xi32>
    %add3A_157 = arith.addi %add3A_156, %iota3A : vector<16xi32>
    %add3A_158 = arith.addi %mul3A_153, %add3A_157 : vector<16xi32>
    %swap3A_159 = arith.constant 1 : i32
    %swap3A_160 = arith.index_cast %swap3A_159 : i32 to index
    %swap3A_161 = arith.constant 0 : index
    %swap3A_162 = tpu.vector_load %arg7[%swap3A_160, %swap3A_161] {strides = array<i32>} : memref<8x128xi32, #tpu.memory_space<vmem>>, vector<1x16xi32>,
    %swap3A_163 = vector.shape_cast %swap3A_162 : vector<1x16xi32> to vector<16xi32>
    %swap3A_164 = vector.shape_cast %add3A_158 : vector<16xi32> to vector<1x16xi32>
    tpu.vector_store %arg7[%swap3A_160, %swap3A_161], %swap3A_164 {strides = array<i32>} : memref<8x128xi32, #tpu.memory_space<vmem>>, vector<1x16xi32>,
    %get3A_165 = arith.constant 144 : index
    %get3A_166 = tpu.vector_load %arg6[%get3A_165] {strides = array<i32>} : memref<1024xi32, #tpu.memory_space<vmem>>, vector<16xi32>,
    %get3A_167 = vector.shape_cast %get3A_166 : vector<16xi32> to vector<16xi32>
    %mul3A_168 = arith.constant 16384 : i32
    %mul3A_169 = vector.broadcast %mul3A_168 : i32 to vector<16xi32>
    %mul3A_170 = arith.muli %get3A_167, %mul3A_169 : vector<16xi32>
    %add3A_171 = arith.constant 144 : i32
    %add3A_172 = arith.addi %mul3A_13, %add3A_171 : i32
    %add3A_173 = vector.broadcast %add3A_172 : i32 to vector<16xi32>
    %add3A_174 = arith.addi %add3A_173, %iota3A : vector<16xi32>
    %add3A_175 = arith.addi %mul3A_170, %add3A_174 : vector<16xi32>
    %swap3A_176 = arith.constant 1 : i32
    %swap3A_177 = arith.index_cast %swap3A_176 : i32 to index
    %swap3A_178 = arith.constant 16 : index
    %swap3A_179 = tpu.vector_load %arg7[%swap3A_177, %swap3A_178] {strides = array<i32>} : memref<8x128xi32, #tpu.memory_space<vmem>>, vector<1x16xi32>,
    %swap3A_180 = vector.shape_cast %swap3A_179 : vector<1x16xi32> to vector<16xi32>
    %swap3A_181 = vector.shape_cast %add3A_175 : vector<16xi32> to vector<1x16xi32>
    tpu.vector_store %arg7[%swap3A_177, %swap3A_178], %swap3A_181 {strides = array<i32>} : memref<8x128xi32, #tpu.memory_space<vmem>>, vector<1x16xi32>,
    %get3A_182 = arith.constant 160 : index
    %get3A_183 = tpu.vector_load %arg6[%get3A_182] {strides = array<i32>} : memref<1024xi32, #tpu.memory_space<vmem>>, vector<16xi32>,
    %get3A_184 = vector.shape_cast %get3A_183 : vector<16xi32> to vector<16xi32>
    %mul3A_185 = arith.constant 16384 : i32
    %mul3A_186 = vector.broadcast %mul3A_185 : i32 to vector<16xi32>
    %mul3A_187 = arith.muli %get3A_184, %mul3A_186 : vector<16xi32>
    %add3A_188 = arith.constant 160 : i32
    %add3A_189 = arith.addi %mul3A_13, %add3A_188 : i32
    %add3A_190 = vector.broadcast %add3A_189 : i32 to vector<16xi32>
    %add3A_191 = arith.addi %add3A_190, %iota3A : vector<16xi32>
    %add3A_192 = arith.addi %mul3A_187, %add3A_191 : vector<16xi32>
    %swap3A_193 = arith.constant 1 : i32
    %swap3A_194 = arith.index_cast %swap3A_193 : i32 to index
    %swap3A_195 = arith.constant 32 : index
    %swap3A_196 = tpu.vector_load %arg7[%swap3A_194, %swap3A_195] {strides = array<i32>} : memref<8x128xi32, #tpu.memory_space<vmem>>, vector<1x16xi32>,
    %swap3A_197 = vector.shape_cast %swap3A_196 : vector<1x16xi32> to vector<16xi32>
    %swap3A_198 = vector.shape_cast %add3A_192 : vector<16xi32> to vector<1x16xi32>
    tpu.vector_store %arg7[%swap3A_194, %swap3A_195], %swap3A_198 {strides = array<i32>} : memref<8x128xi32, #tpu.memory_space<vmem>>, vector<1x16xi32>,
    %get3A_199 = arith.constant 176 : index
    %get3A_200 = tpu.vector_load %arg6[%get3A_199] {strides = array<i32>} : memref<1024xi32, #tpu.memory_space<vmem>>, vector<16xi32>,
    %get3A_201 = vector.shape_cast %get3A_200 : vector<16xi32> to vector<16xi32>
    %mul3A_202 = arith.constant 16384 : i32
    %mul3A_203 = vector.broadcast %mul3A_202 : i32 to vector<16xi32>
    %mul3A_204 = arith.muli %get3A_201, %mul3A_203 : vector<16xi32>
    %add3A_205 = arith.constant 176 : i32
    %add3A_206 = arith.addi %mul3A_13, %add3A_205 : i32
    %add3A_207 = vector.broadcast %add3A_206 : i32 to vector<16xi32>
    %add3A_208 = arith.addi %add3A_207, %iota3A : vector<16xi32>
    %add3A_209 = arith.addi %mul3A_204, %add3A_208 : vector<16xi32>
    %swap3A_210 = arith.constant 1 : i32
    %swap3A_211 = arith.index_cast %swap3A_210 : i32 to index
    %swap3A_212 = arith.constant 48 : index
    %swap3A_213 = tpu.vector_load %arg7[%swap3A_211, %swap3A_212] {strides = array<i32>} : memref<8x128xi32, #tpu.memory_space<vmem>>, vector<1x16xi32>,
    %swap3A_214 = vector.shape_cast %swap3A_213 : vector<1x16xi32> to vector<16xi32>
    %swap3A_215 = vector.shape_cast %add3A_209 : vector<16xi32> to vector<1x16xi32>
    tpu.vector_store %arg7[%swap3A_211, %swap3A_212], %swap3A_215 {strides = array<i32>} : memref<8x128xi32, #tpu.memory_space<vmem>>, vector<1x16xi32>,
    %get3A_216 = arith.constant 192 : index
    %get3A_217 = tpu.vector_load %arg6[%get3A_216] {strides = array<i32>} : memref<1024xi32, #tpu.memory_space<vmem>>, vector<16xi32>,
    %get3A_218 = vector.shape_cast %get3A_217 : vector<16xi32> to vector<16xi32>
    %mul3A_219 = arith.constant 16384 : i32
    %mul3A_220 = vector.broadcast %mul3A_219 : i32 to vector<16xi32>
    %mul3A_221 = arith.muli %get3A_218, %mul3A_220 : vector<16xi32>
    %add3A_222 = arith.constant 192 : i32
    %add3A_223 = arith.addi %mul3A_13, %add3A_222 : i32
    %add3A_224 = vector.broadcast %add3A_223 : i32 to vector<16xi32>
    %add3A_225 = arith.addi %add3A_224, %iota3A : vector<16xi32>
    %add3A_226 = arith.addi %mul3A_221, %add3A_225 : vector<16xi32>
    %swap3A_227 = arith.constant 1 : i32
    %swap3A_228 = arith.index_cast %swap3A_227 : i32 to index
    %swap3A_229 = arith.constant 64 : index
    %swap3A_230 = tpu.vector_load %arg7[%swap3A_228, %swap3A_229] {strides = array<i32>} : memref<8x128xi32, #tpu.memory_space<vmem>>, vector<1x16xi32>,
    %swap3A_231 = vector.shape_cast %swap3A_230 : vector<1x16xi32> to vector<16xi32>
    %swap3A_232 = vector.shape_cast %add3A_226 : vector<16xi32> to vector<1x16xi32>
    tpu.vector_store %arg7[%swap3A_228, %swap3A_229], %swap3A_232 {strides = array<i32>} : memref<8x128xi32, #tpu.memory_space<vmem>>, vector<1x16xi32>,
    %get3A_233 = arith.constant 208 : index
    %get3A_234 = tpu.vector_load %arg6[%get3A_233] {strides = array<i32>} : memref<1024xi32, #tpu.memory_space<vmem>>, vector<16xi32>,
    %get3A_235 = vector.shape_cast %get3A_234 : vector<16xi32> to vector<16xi32>
    %mul3A_236 = arith.constant 16384 : i32
    %mul3A_237 = vector.broadcast %mul3A_236 : i32 to vector<16xi32>
    %mul3A_238 = arith.muli %get3A_235, %mul3A_237 : vector<16xi32>
    %add3A_239 = arith.constant 208 : i32
    %add3A_240 = arith.addi %mul3A_13, %add3A_239 : i32
    %add3A_241 = vector.broadcast %add3A_240 : i32 to vector<16xi32>
    %add3A_242 = arith.addi %add3A_241, %iota3A : vector<16xi32>
    %add3A_243 = arith.addi %mul3A_238, %add3A_242 : vector<16xi32>
    %swap3A_244 = arith.constant 1 : i32
    %swap3A_245 = arith.index_cast %swap3A_244 : i32 to index
    %swap3A_246 = arith.constant 80 : index
    %swap3A_247 = tpu.vector_load %arg7[%swap3A_245, %swap3A_246] {strides = array<i32>} : memref<8x128xi32, #tpu.memory_space<vmem>>, vector<1x16xi32>,
    %swap3A_248 = vector.shape_cast %swap3A_247 : vector<1x16xi32> to vector<16xi32>
    %swap3A_249 = vector.shape_cast %add3A_243 : vector<16xi32> to vector<1x16xi32>
    tpu.vector_store %arg7[%swap3A_245, %swap3A_246], %swap3A_249 {strides = array<i32>} : memref<8x128xi32, #tpu.memory_space<vmem>>, vector<1x16xi32>,
    %get3A_250 = arith.constant 224 : index
    %get3A_251 = tpu.vector_load %arg6[%get3A_250] {strides = array<i32>} : memref<1024xi32, #tpu.memory_space<vmem>>, vector<16xi32>,
    %get3A_252 = vector.shape_cast %get3A_251 : vector<16xi32> to vector<16xi32>
    %mul3A_253 = arith.constant 16384 : i32
    %mul3A_254 = vector.broadcast %mul3A_253 : i32 to vector<16xi32>
    %mul3A_255 = arith.muli %get3A_252, %mul3A_254 : vector<16xi32>
    %add3A_256 = arith.constant 224 : i32
    %add3A_257 = arith.addi %mul3A_13, %add3A_256 : i32
    %add3A_258 = vector.broadcast %add3A_257 : i32 to vector<16xi32>
    %add3A_259 = arith.addi %add3A_258, %iota3A : vector<16xi32>
    %add3A_260 = arith.addi %mul3A_255, %add3A_259 : vector<16xi32>
    %swap3A_261 = arith.constant 1 : i32
    %swap3A_262 = arith.index_cast %swap3A_261 : i32 to index
    %swap3A_263 = arith.constant 96 : index
    %swap3A_264 = tpu.vector_load %arg7[%swap3A_262, %swap3A_263] {strides = array<i32>} : memref<8x128xi32, #tpu.memory_space<vmem>>, vector<1x16xi32>,
    %swap3A_265 = vector.shape_cast %swap3A_264 : vector<1x16xi32> to vector<16xi32>
    %swap3A_266 = vector.shape_cast %add3A_260 : vector<16xi32> to vector<1x16xi32>
    tpu.vector_store %arg7[%swap3A_262, %swap3A_263], %swap3A_266 {strides = array<i32>} : memref<8x128xi32, #tpu.memory_space<vmem>>, vector<1x16xi32>,
    %get3A_267 = arith.constant 240 : index
    %get3A_268 = tpu.vector_load %arg6[%get3A_267] {strides = array<i32>} : memref<1024xi32, #tpu.memory_space<vmem>>, vector<16xi32>,
    %get3A_269 = vector.shape_cast %get3A_268 : vector<16xi32> to vector<16xi32>
    %mul3A_270 = arith.constant 16384 : i32
    %mul3A_271 = vector.broadcast %mul3A_270 : i32 to vector<16xi32>
    %mul3A_272 = arith.muli %get3A_269, %mul3A_271 : vector<16xi32>
    %add3A_273 = arith.constant 240 : i32
    %add3A_274 = arith.addi %mul3A_13, %add3A_273 : i32
    %add3A_275 = vector.broadcast %add3A_274 : i32 to vector<16xi32>
    %add3A_276 = arith.addi %add3A_275, %iota3A : vector<16xi32>
    %add3A_277 = arith.addi %mul3A_272, %add3A_276 : vector<16xi32>
    %swap3A_278 = arith.constant 1 : i32
    %swap3A_279 = arith.index_cast %swap3A_278 : i32 to index
    %swap3A_280 = arith.constant 112 : index
    %swap3A_281 = tpu.vector_load %arg7[%swap3A_279, %swap3A_280] {strides = array<i32>} : memref<8x128xi32, #tpu.memory_space<vmem>>, vector<1x16xi32>,
    %swap3A_282 = vector.shape_cast %swap3A_281 : vector<1x16xi32> to vector<16xi32>
    %swap3A_283 = vector.shape_cast %add3A_277 : vector<16xi32> to vector<1x16xi32>
    tpu.vector_store %arg7[%swap3A_279, %swap3A_280], %swap3A_283 {strides = array<i32>} : memref<8x128xi32, #tpu.memory_space<vmem>>, vector<1x16xi32>,
    %get3A_284 = arith.constant 256 : index
    %get3A_285 = tpu.vector_load %arg6[%get3A_284] {strides = array<i32>} : memref<1024xi32, #tpu.memory_space<vmem>>, vector<16xi32>,
    %get3A_286 = vector.shape_cast %get3A_285 : vector<16xi32> to vector<16xi32>
    %mul3A_287 = arith.constant 16384 : i32
    %mul3A_288 = vector.broadcast %mul3A_287 : i32 to vector<16xi32>
    %mul3A_289 = arith.muli %get3A_286, %mul3A_288 : vector<16xi32>
    %add3A_290 = arith.constant 256 : i32
    %add3A_291 = arith.addi %mul3A_13, %add3A_290 : i32
    %add3A_292 = vector.broadcast %add3A_291 : i32 to vector<16xi32>
    %add3A_293 = arith.addi %add3A_292, %iota3A : vector<16xi32>
    %add3A_294 = arith.addi %mul3A_289, %add3A_293 : vector<16xi32>
    %swap3A_295 = arith.constant 2 : i32
    %swap3A_296 = arith.index_cast %swap3A_295 : i32 to index
    %swap3A_297 = arith.constant 0 : index
    %swap3A_298 = tpu.vector_load %arg7[%swap3A_296, %swap3A_297] {strides = array<i32>} : memref<8x128xi32, #tpu.memory_space<vmem>>, vector<1x16xi32>,
    %swap3A_299 = vector.shape_cast %swap3A_298 : vector<1x16xi32> to vector<16xi32>
    %swap3A_300 = vector.shape_cast %add3A_294 : vector<16xi32> to vector<1x16xi32>
    tpu.vector_store %arg7[%swap3A_296, %swap3A_297], %swap3A_300 {strides = array<i32>} : memref<8x128xi32, #tpu.memory_space<vmem>>, vector<1x16xi32>,
    %get3A_301 = arith.constant 272 : index
    %get3A_302 = tpu.vector_load %arg6[%get3A_301] {strides = array<i32>} : memref<1024xi32, #tpu.memory_space<vmem>>, vector<16xi32>,
    %get3A_303 = vector.shape_cast %get3A_302 : vector<16xi32> to vector<16xi32>
    %mul3A_304 = arith.constant 16384 : i32
    %mul3A_305 = vector.broadcast %mul3A_304 : i32 to vector<16xi32>
    %mul3A_306 = arith.muli %get3A_303, %mul3A_305 : vector<16xi32>
    %add3A_307 = arith.constant 272 : i32
    %add3A_308 = arith.addi %mul3A_13, %add3A_307 : i32
    %add3A_309 = vector.broadcast %add3A_308 : i32 to vector<16xi32>
    %add3A_310 = arith.addi %add3A_309, %iota3A : vector<16xi32>
    %add3A_311 = arith.addi %mul3A_306, %add3A_310 : vector<16xi32>
    %swap3A_312 = arith.constant 2 : i32
    %swap3A_313 = arith.index_cast %swap3A_312 : i32 to index
    %swap3A_314 = arith.constant 16 : index
    %swap3A_315 = tpu.vector_load %arg7[%swap3A_313, %swap3A_314] {strides = array<i32>} : memref<8x128xi32, #tpu.memory_space<vmem>>, vector<1x16xi32>,
    %swap3A_316 = vector.shape_cast %swap3A_315 : vector<1x16xi32> to vector<16xi32>
    %swap3A_317 = vector.shape_cast %add3A_311 : vector<16xi32> to vector<1x16xi32>
    tpu.vector_store %arg7[%swap3A_313, %swap3A_314], %swap3A_317 {strides = array<i32>} : memref<8x128xi32, #tpu.memory_space<vmem>>, vector<1x16xi32>,
    %get3A_318 = arith.constant 288 : index
    %get3A_319 = tpu.vector_load %arg6[%get3A_318] {strides = array<i32>} : memref<1024xi32, #tpu.memory_space<vmem>>, vector<16xi32>,
    %get3A_320 = vector.shape_cast %get3A_319 : vector<16xi32> to vector<16xi32>
    %mul3A_321 = arith.constant 16384 : i32
    %mul3A_322 = vector.broadcast %mul3A_321 : i32 to vector<16xi32>
    %mul3A_323 = arith.muli %get3A_320, %mul3A_322 : vector<16xi32>
    %add3A_324 = arith.constant 288 : i32
    %add3A_325 = arith.addi %mul3A_13, %add3A_324 : i32
    %add3A_326 = vector.broadcast %add3A_325 : i32 to vector<16xi32>
    %add3A_327 = arith.addi %add3A_326, %iota3A : vector<16xi32>
    %add3A_328 = arith.addi %mul3A_323, %add3A_327 : vector<16xi32>
    %swap3A_329 = arith.constant 2 : i32
    %swap3A_330 = arith.index_cast %swap3A_329 : i32 to index
    %swap3A_331 = arith.constant 32 : index
    %swap3A_332 = tpu.vector_load %arg7[%swap3A_330, %swap3A_331] {strides = array<i32>} : memref<8x128xi32, #tpu.memory_space<vmem>>, vector<1x16xi32>,
    %swap3A_333 = vector.shape_cast %swap3A_332 : vector<1x16xi32> to vector<16xi32>
    %swap3A_334 = vector.shape_cast %add3A_328 : vector<16xi32> to vector<1x16xi32>
    tpu.vector_store %arg7[%swap3A_330, %swap3A_331], %swap3A_334 {strides = array<i32>} : memref<8x128xi32, #tpu.memory_space<vmem>>, vector<1x16xi32>,
    %get3A_335 = arith.constant 304 : index
    %get3A_336 = tpu.vector_load %arg6[%get3A_335] {strides = array<i32>} : memref<1024xi32, #tpu.memory_space<vmem>>, vector<16xi32>,
    %get3A_337 = vector.shape_cast %get3A_336 : vector<16xi32> to vector<16xi32>
    %mul3A_338 = arith.constant 16384 : i32
    %mul3A_339 = vector.broadcast %mul3A_338 : i32 to vector<16xi32>
    %mul3A_340 = arith.muli %get3A_337, %mul3A_339 : vector<16xi32>
    %add3A_341 = arith.constant 304 : i32
    %add3A_342 = arith.addi %mul3A_13, %add3A_341 : i32
    %add3A_343 = vector.broadcast %add3A_342 : i32 to vector<16xi32>
    %add3A_344 = arith.addi %add3A_343, %iota3A : vector<16xi32>
    %add3A_345 = arith.addi %mul3A_340, %add3A_344 : vector<16xi32>
    %swap3A_346 = arith.constant 2 : i32
    %swap3A_347 = arith.index_cast %swap3A_346 : i32 to index
    %swap3A_348 = arith.constant 48 : index
    %swap3A_349 = tpu.vector_load %arg7[%swap3A_347, %swap3A_348] {strides = array<i32>} : memref<8x128xi32, #tpu.memory_space<vmem>>, vector<1x16xi32>,
    %swap3A_350 = vector.shape_cast %swap3A_349 : vector<1x16xi32> to vector<16xi32>
    %swap3A_351 = vector.shape_cast %add3A_345 : vector<16xi32> to vector<1x16xi32>
    tpu.vector_store %arg7[%swap3A_347, %swap3A_348], %swap3A_351 {strides = array<i32>} : memref<8x128xi32, #tpu.memory_space<vmem>>, vector<1x16xi32>,
    %get3A_352 = arith.constant 320 : index
    %get3A_353 = tpu.vector_load %arg6[%get3A_352] {strides = array<i32>} : memref<1024xi32, #tpu.memory_space<vmem>>, vector<16xi32>,
    %get3A_354 = vector.shape_cast %get3A_353 : vector<16xi32> to vector<16xi32>
    %mul3A_355 = arith.constant 16384 : i32
    %mul3A_356 = vector.broadcast %mul3A_355 : i32 to vector<16xi32>
    %mul3A_357 = arith.muli %get3A_354, %mul3A_356 : vector<16xi32>
    %add3A_358 = arith.constant 320 : i32
    %add3A_359 = arith.addi %mul3A_13, %add3A_358 : i32
    %add3A_360 = vector.broadcast %add3A_359 : i32 to vector<16xi32>
    %add3A_361 = arith.addi %add3A_360, %iota3A : vector<16xi32>
    %add3A_362 = arith.addi %mul3A_357, %add3A_361 : vector<16xi32>
    %swap3A_363 = arith.constant 2 : i32
    %swap3A_364 = arith.index_cast %swap3A_363 : i32 to index
    %swap3A_365 = arith.constant 64 : index
    %swap3A_366 = tpu.vector_load %arg7[%swap3A_364, %swap3A_365] {strides = array<i32>} : memref<8x128xi32, #tpu.memory_space<vmem>>, vector<1x16xi32>,
    %swap3A_367 = vector.shape_cast %swap3A_366 : vector<1x16xi32> to vector<16xi32>
    %swap3A_368 = vector.shape_cast %add3A_362 : vector<16xi32> to vector<1x16xi32>
    tpu.vector_store %arg7[%swap3A_364, %swap3A_365], %swap3A_368 {strides = array<i32>} : memref<8x128xi32, #tpu.memory_space<vmem>>, vector<1x16xi32>,
    %get3A_369 = arith.constant 336 : index
    %get3A_370 = tpu.vector_load %arg6[%get3A_369] {strides = array<i32>} : memref<1024xi32, #tpu.memory_space<vmem>>, vector<16xi32>,
    %get3A_371 = vector.shape_cast %get3A_370 : vector<16xi32> to vector<16xi32>
    %mul3A_372 = arith.constant 16384 : i32
    %mul3A_373 = vector.broadcast %mul3A_372 : i32 to vector<16xi32>
    %mul3A_374 = arith.muli %get3A_371, %mul3A_373 : vector<16xi32>
    %add3A_375 = arith.constant 336 : i32
    %add3A_376 = arith.addi %mul3A_13, %add3A_375 : i32
    %add3A_377 = vector.broadcast %add3A_376 : i32 to vector<16xi32>
    %add3A_378 = arith.addi %add3A_377, %iota3A : vector<16xi32>
    %add3A_379 = arith.addi %mul3A_374, %add3A_378 : vector<16xi32>
    %swap3A_380 = arith.constant 2 : i32
    %swap3A_381 = arith.index_cast %swap3A_380 : i32 to index
    %swap3A_382 = arith.constant 80 : index
    %swap3A_383 = tpu.vector_load %arg7[%swap3A_381, %swap3A_382] {strides = array<i32>} : memref<8x128xi32, #tpu.memory_space<vmem>>, vector<1x16xi32>,
    %swap3A_384 = vector.shape_cast %swap3A_383 : vector<1x16xi32> to vector<16xi32>
    %swap3A_385 = vector.shape_cast %add3A_379 : vector<16xi32> to vector<1x16xi32>
    tpu.vector_store %arg7[%swap3A_381, %swap3A_382], %swap3A_385 {strides = array<i32>} : memref<8x128xi32, #tpu.memory_space<vmem>>, vector<1x16xi32>,
    %get3A_386 = arith.constant 352 : index
    %get3A_387 = tpu.vector_load %arg6[%get3A_386] {strides = array<i32>} : memref<1024xi32, #tpu.memory_space<vmem>>, vector<16xi32>,
    %get3A_388 = vector.shape_cast %get3A_387 : vector<16xi32> to vector<16xi32>
    %mul3A_389 = arith.constant 16384 : i32
    %mul3A_390 = vector.broadcast %mul3A_389 : i32 to vector<16xi32>
    %mul3A_391 = arith.muli %get3A_388, %mul3A_390 : vector<16xi32>
    %add3A_392 = arith.constant 352 : i32
    %add3A_393 = arith.addi %mul3A_13, %add3A_392 : i32
    %add3A_394 = vector.broadcast %add3A_393 : i32 to vector<16xi32>
    %add3A_395 = arith.addi %add3A_394, %iota3A : vector<16xi32>
    %add3A_396 = arith.addi %mul3A_391, %add3A_395 : vector<16xi32>
    %swap3A_397 = arith.constant 2 : i32
    %swap3A_398 = arith.index_cast %swap3A_397 : i32 to index
    %swap3A_399 = arith.constant 96 : index
    %swap3A_400 = tpu.vector_load %arg7[%swap3A_398, %swap3A_399] {strides = array<i32>} : memref<8x128xi32, #tpu.memory_space<vmem>>, vector<1x16xi32>,
    %swap3A_401 = vector.shape_cast %swap3A_400 : vector<1x16xi32> to vector<16xi32>
    %swap3A_402 = vector.shape_cast %add3A_396 : vector<16xi32> to vector<1x16xi32>
    tpu.vector_store %arg7[%swap3A_398, %swap3A_399], %swap3A_402 {strides = array<i32>} : memref<8x128xi32, #tpu.memory_space<vmem>>, vector<1x16xi32>,
    %get3A_403 = arith.constant 368 : index
    %get3A_404 = tpu.vector_load %arg6[%get3A_403] {strides = array<i32>} : memref<1024xi32, #tpu.memory_space<vmem>>, vector<16xi32>,
    %get3A_405 = vector.shape_cast %get3A_404 : vector<16xi32> to vector<16xi32>
    %mul3A_406 = arith.constant 16384 : i32
    %mul3A_407 = vector.broadcast %mul3A_406 : i32 to vector<16xi32>
    %mul3A_408 = arith.muli %get3A_405, %mul3A_407 : vector<16xi32>
    %add3A_409 = arith.constant 368 : i32
    %add3A_410 = arith.addi %mul3A_13, %add3A_409 : i32
    %add3A_411 = vector.broadcast %add3A_410 : i32 to vector<16xi32>
    %add3A_412 = arith.addi %add3A_411, %iota3A : vector<16xi32>
    %add3A_413 = arith.addi %mul3A_408, %add3A_412 : vector<16xi32>
    %swap3A_414 = arith.constant 2 : i32
    %swap3A_415 = arith.index_cast %swap3A_414 : i32 to index
    %swap3A_416 = arith.constant 112 : index
    %swap3A_417 = tpu.vector_load %arg7[%swap3A_415, %swap3A_416] {strides = array<i32>} : memref<8x128xi32, #tpu.memory_space<vmem>>, vector<1x16xi32>,
    %swap3A_418 = vector.shape_cast %swap3A_417 : vector<1x16xi32> to vector<16xi32>
    %swap3A_419 = vector.shape_cast %add3A_413 : vector<16xi32> to vector<1x16xi32>
    tpu.vector_store %arg7[%swap3A_415, %swap3A_416], %swap3A_419 {strides = array<i32>} : memref<8x128xi32, #tpu.memory_space<vmem>>, vector<1x16xi32>,
    %get3A_420 = arith.constant 384 : index
    %get3A_421 = tpu.vector_load %arg6[%get3A_420] {strides = array<i32>} : memref<1024xi32, #tpu.memory_space<vmem>>, vector<16xi32>,
    %get3A_422 = vector.shape_cast %get3A_421 : vector<16xi32> to vector<16xi32>
    %mul3A_423 = arith.constant 16384 : i32
    %mul3A_424 = vector.broadcast %mul3A_423 : i32 to vector<16xi32>
    %mul3A_425 = arith.muli %get3A_422, %mul3A_424 : vector<16xi32>
    %add3A_426 = arith.constant 384 : i32
    %add3A_427 = arith.addi %mul3A_13, %add3A_426 : i32
    %add3A_428 = vector.broadcast %add3A_427 : i32 to vector<16xi32>
    %add3A_429 = arith.addi %add3A_428, %iota3A : vector<16xi32>
    %add3A_430 = arith.addi %mul3A_425, %add3A_429 : vector<16xi32>
    %swap3A_431 = arith.constant 3 : i32
    %swap3A_432 = arith.index_cast %swap3A_431 : i32 to index
    %swap3A_433 = arith.constant 0 : index
    %swap3A_434 = tpu.vector_load %arg7[%swap3A_432, %swap3A_433] {strides = array<i32>} : memref<8x128xi32, #tpu.memory_space<vmem>>, vector<1x16xi32>,
    %swap3A_435 = vector.shape_cast %swap3A_434 : vector<1x16xi32> to vector<16xi32>
    %swap3A_436 = vector.shape_cast %add3A_430 : vector<16xi32> to vector<1x16xi32>
    tpu.vector_store %arg7[%swap3A_432, %swap3A_433], %swap3A_436 {strides = array<i32>} : memref<8x128xi32, #tpu.memory_space<vmem>>, vector<1x16xi32>,
    %get3A_437 = arith.constant 400 : index
    %get3A_438 = tpu.vector_load %arg6[%get3A_437] {strides = array<i32>} : memref<1024xi32, #tpu.memory_space<vmem>>, vector<16xi32>,
    %get3A_439 = vector.shape_cast %get3A_438 : vector<16xi32> to vector<16xi32>
    %mul3A_440 = arith.constant 16384 : i32
    %mul3A_441 = vector.broadcast %mul3A_440 : i32 to vector<16xi32>
    %mul3A_442 = arith.muli %get3A_439, %mul3A_441 : vector<16xi32>
    %add3A_443 = arith.constant 400 : i32
    %add3A_444 = arith.addi %mul3A_13, %add3A_443 : i32
    %add3A_445 = vector.broadcast %add3A_444 : i32 to vector<16xi32>
    %add3A_446 = arith.addi %add3A_445, %iota3A : vector<16xi32>
    %add3A_447 = arith.addi %mul3A_442, %add3A_446 : vector<16xi32>
    %swap3A_448 = arith.constant 3 : i32
    %swap3A_449 = arith.index_cast %swap3A_448 : i32 to index
    %swap3A_450 = arith.constant 16 : index
    %swap3A_451 = tpu.vector_load %arg7[%swap3A_449, %swap3A_450] {strides = array<i32>} : memref<8x128xi32, #tpu.memory_space<vmem>>, vector<1x16xi32>,
    %swap3A_452 = vector.shape_cast %swap3A_451 : vector<1x16xi32> to vector<16xi32>
    %swap3A_453 = vector.shape_cast %add3A_447 : vector<16xi32> to vector<1x16xi32>
    tpu.vector_store %arg7[%swap3A_449, %swap3A_450], %swap3A_453 {strides = array<i32>} : memref<8x128xi32, #tpu.memory_space<vmem>>, vector<1x16xi32>,
    %get3A_454 = arith.constant 416 : index
    %get3A_455 = tpu.vector_load %arg6[%get3A_454] {strides = array<i32>} : memref<1024xi32, #tpu.memory_space<vmem>>, vector<16xi32>,
    %get3A_456 = vector.shape_cast %get3A_455 : vector<16xi32> to vector<16xi32>
    %mul3A_457 = arith.constant 16384 : i32
    %mul3A_458 = vector.broadcast %mul3A_457 : i32 to vector<16xi32>
    %mul3A_459 = arith.muli %get3A_456, %mul3A_458 : vector<16xi32>
    %add3A_460 = arith.constant 416 : i32
    %add3A_461 = arith.addi %mul3A_13, %add3A_460 : i32
    %add3A_462 = vector.broadcast %add3A_461 : i32 to vector<16xi32>
    %add3A_463 = arith.addi %add3A_462, %iota3A : vector<16xi32>
    %add3A_464 = arith.addi %mul3A_459, %add3A_463 : vector<16xi32>
    %swap3A_465 = arith.constant 3 : i32
    %swap3A_466 = arith.index_cast %swap3A_465 : i32 to index
    %swap3A_467 = arith.constant 32 : index
    %swap3A_468 = tpu.vector_load %arg7[%swap3A_466, %swap3A_467] {strides = array<i32>} : memref<8x128xi32, #tpu.memory_space<vmem>>, vector<1x16xi32>,
    %swap3A_469 = vector.shape_cast %swap3A_468 : vector<1x16xi32> to vector<16xi32>
    %swap3A_470 = vector.shape_cast %add3A_464 : vector<16xi32> to vector<1x16xi32>
    tpu.vector_store %arg7[%swap3A_466, %swap3A_467], %swap3A_470 {strides = array<i32>} : memref<8x128xi32, #tpu.memory_space<vmem>>, vector<1x16xi32>,
    %get3A_471 = arith.constant 432 : index
    %get3A_472 = tpu.vector_load %arg6[%get3A_471] {strides = array<i32>} : memref<1024xi32, #tpu.memory_space<vmem>>, vector<16xi32>,
    %get3A_473 = vector.shape_cast %get3A_472 : vector<16xi32> to vector<16xi32>
    %mul3A_474 = arith.constant 16384 : i32
    %mul3A_475 = vector.broadcast %mul3A_474 : i32 to vector<16xi32>
    %mul3A_476 = arith.muli %get3A_473, %mul3A_475 : vector<16xi32>
    %add3A_477 = arith.constant 432 : i32
    %add3A_478 = arith.addi %mul3A_13, %add3A_477 : i32
    %add3A_479 = vector.broadcast %add3A_478 : i32 to vector<16xi32>
    %add3A_480 = arith.addi %add3A_479, %iota3A : vector<16xi32>
    %add3A_481 = arith.addi %mul3A_476, %add3A_480 : vector<16xi32>
    %swap3A_482 = arith.constant 3 : i32
    %swap3A_483 = arith.index_cast %swap3A_482 : i32 to index
    %swap3A_484 = arith.constant 48 : index
    %swap3A_485 = tpu.vector_load %arg7[%swap3A_483, %swap3A_484] {strides = array<i32>} : memref<8x128xi32, #tpu.memory_space<vmem>>, vector<1x16xi32>,
    %swap3A_486 = vector.shape_cast %swap3A_485 : vector<1x16xi32> to vector<16xi32>
    %swap3A_487 = vector.shape_cast %add3A_481 : vector<16xi32> to vector<1x16xi32>
    tpu.vector_store %arg7[%swap3A_483, %swap3A_484], %swap3A_487 {strides = array<i32>} : memref<8x128xi32, #tpu.memory_space<vmem>>, vector<1x16xi32>,
    %get3A_488 = arith.constant 448 : index
    %get3A_489 = tpu.vector_load %arg6[%get3A_488] {strides = array<i32>} : memref<1024xi32, #tpu.memory_space<vmem>>, vector<16xi32>,
    %get3A_490 = vector.shape_cast %get3A_489 : vector<16xi32> to vector<16xi32>
    %mul3A_491 = arith.constant 16384 : i32
    %mul3A_492 = vector.broadcast %mul3A_491 : i32 to vector<16xi32>
    %mul3A_493 = arith.muli %get3A_490, %mul3A_492 : vector<16xi32>
    %add3A_494 = arith.constant 448 : i32
    %add3A_495 = arith.addi %mul3A_13, %add3A_494 : i32
    %add3A_496 = vector.broadcast %add3A_495 : i32 to vector<16xi32>
    %add3A_497 = arith.addi %add3A_496, %iota3A : vector<16xi32>
    %add3A_498 = arith.addi %mul3A_493, %add3A_497 : vector<16xi32>
    %swap3A_499 = arith.constant 3 : i32
    %swap3A_500 = arith.index_cast %swap3A_499 : i32 to index
    %swap3A_501 = arith.constant 64 : index
    %swap3A_502 = tpu.vector_load %arg7[%swap3A_500, %swap3A_501] {strides = array<i32>} : memref<8x128xi32, #tpu.memory_space<vmem>>, vector<1x16xi32>,
    %swap3A_503 = vector.shape_cast %swap3A_502 : vector<1x16xi32> to vector<16xi32>
    %swap3A_504 = vector.shape_cast %add3A_498 : vector<16xi32> to vector<1x16xi32>
    tpu.vector_store %arg7[%swap3A_500, %swap3A_501], %swap3A_504 {strides = array<i32>} : memref<8x128xi32, #tpu.memory_space<vmem>>, vector<1x16xi32>,
    %get3A_505 = arith.constant 464 : index
    %get3A_506 = tpu.vector_load %arg6[%get3A_505] {strides = array<i32>} : memref<1024xi32, #tpu.memory_space<vmem>>, vector<16xi32>,
    %get3A_507 = vector.shape_cast %get3A_506 : vector<16xi32> to vector<16xi32>
    %mul3A_508 = arith.constant 16384 : i32
    %mul3A_509 = vector.broadcast %mul3A_508 : i32 to vector<16xi32>
    %mul3A_510 = arith.muli %get3A_507, %mul3A_509 : vector<16xi32>
    %add3A_511 = arith.constant 464 : i32
    %add3A_512 = arith.addi %mul3A_13, %add3A_511 : i32
    %add3A_513 = vector.broadcast %add3A_512 : i32 to vector<16xi32>
    %add3A_514 = arith.addi %add3A_513, %iota3A : vector<16xi32>
    %add3A_515 = arith.addi %mul3A_510, %add3A_514 : vector<16xi32>
    %swap3A_516 = arith.constant 3 : i32
    %swap3A_517 = arith.index_cast %swap3A_516 : i32 to index
    %swap3A_518 = arith.constant 80 : index
    %swap3A_519 = tpu.vector_load %arg7[%swap3A_517, %swap3A_518] {strides = array<i32>} : memref<8x128xi32, #tpu.memory_space<vmem>>, vector<1x16xi32>,
    %swap3A_520 = vector.shape_cast %swap3A_519 : vector<1x16xi32> to vector<16xi32>
    %swap3A_521 = vector.shape_cast %add3A_515 : vector<16xi32> to vector<1x16xi32>
    tpu.vector_store %arg7[%swap3A_517, %swap3A_518], %swap3A_521 {strides = array<i32>} : memref<8x128xi32, #tpu.memory_space<vmem>>, vector<1x16xi32>,
    %get3A_522 = arith.constant 480 : index
    %get3A_523 = tpu.vector_load %arg6[%get3A_522] {strides = array<i32>} : memref<1024xi32, #tpu.memory_space<vmem>>, vector<16xi32>,
    %get3A_524 = vector.shape_cast %get3A_523 : vector<16xi32> to vector<16xi32>
    %mul3A_525 = arith.constant 16384 : i32
    %mul3A_526 = vector.broadcast %mul3A_525 : i32 to vector<16xi32>
    %mul3A_527 = arith.muli %get3A_524, %mul3A_526 : vector<16xi32>
    %add3A_528 = arith.constant 480 : i32
    %add3A_529 = arith.addi %mul3A_13, %add3A_528 : i32
    %add3A_530 = vector.broadcast %add3A_529 : i32 to vector<16xi32>
    %add3A_531 = arith.addi %add3A_530, %iota3A : vector<16xi32>
    %add3A_532 = arith.addi %mul3A_527, %add3A_531 : vector<16xi32>
    %swap3A_533 = arith.constant 3 : i32
    %swap3A_534 = arith.index_cast %swap3A_533 : i32 to index
    %swap3A_535 = arith.constant 96 : index
    %swap3A_536 = tpu.vector_load %arg7[%swap3A_534, %swap3A_535] {strides = array<i32>} : memref<8x128xi32, #tpu.memory_space<vmem>>, vector<1x16xi32>,
    %swap3A_537 = vector.shape_cast %swap3A_536 : vector<1x16xi32> to vector<16xi32>
    %swap3A_538 = vector.shape_cast %add3A_532 : vector<16xi32> to vector<1x16xi32>
    tpu.vector_store %arg7[%swap3A_534, %swap3A_535], %swap3A_538 {strides = array<i32>} : memref<8x128xi32, #tpu.memory_space<vmem>>, vector<1x16xi32>,
    %get3A_539 = arith.constant 496 : index
    %get3A_540 = tpu.vector_load %arg6[%get3A_539] {strides = array<i32>} : memref<1024xi32, #tpu.memory_space<vmem>>, vector<16xi32>,
    %get3A_541 = vector.shape_cast %get3A_540 : vector<16xi32> to vector<16xi32>
    %mul3A_542 = arith.constant 16384 : i32
    %mul3A_543 = vector.broadcast %mul3A_542 : i32 to vector<16xi32>
    %mul3A_544 = arith.muli %get3A_541, %mul3A_543 : vector<16xi32>
    %add3A_545 = arith.constant 496 : i32
    %add3A_546 = arith.addi %mul3A_13, %add3A_545 : i32
    %add3A_547 = vector.broadcast %add3A_546 : i32 to vector<16xi32>
    %add3A_548 = arith.addi %add3A_547, %iota3A : vector<16xi32>
    %add3A_549 = arith.addi %mul3A_544, %add3A_548 : vector<16xi32>
    %swap3A_550 = arith.constant 3 : i32
    %swap3A_551 = arith.index_cast %swap3A_550 : i32 to index
    %swap3A_552 = arith.constant 112 : index
    %swap3A_553 = tpu.vector_load %arg7[%swap3A_551, %swap3A_552] {strides = array<i32>} : memref<8x128xi32, #tpu.memory_space<vmem>>, vector<1x16xi32>,
    %swap3A_554 = vector.shape_cast %swap3A_553 : vector<1x16xi32> to vector<16xi32>
    %swap3A_555 = vector.shape_cast %add3A_549 : vector<16xi32> to vector<1x16xi32>
    tpu.vector_store %arg7[%swap3A_551, %swap3A_552], %swap3A_555 {strides = array<i32>} : memref<8x128xi32, #tpu.memory_space<vmem>>, vector<1x16xi32>,
    %get3A_556 = arith.constant 512 : index
    %get3A_557 = tpu.vector_load %arg6[%get3A_556] {strides = array<i32>} : memref<1024xi32, #tpu.memory_space<vmem>>, vector<16xi32>,
    %get3A_558 = vector.shape_cast %get3A_557 : vector<16xi32> to vector<16xi32>
    %mul3A_559 = arith.constant 16384 : i32
    %mul3A_560 = vector.broadcast %mul3A_559 : i32 to vector<16xi32>
    %mul3A_561 = arith.muli %get3A_558, %mul3A_560 : vector<16xi32>
    %add3A_562 = arith.constant 512 : i32
    %add3A_563 = arith.addi %mul3A_13, %add3A_562 : i32
    %add3A_564 = vector.broadcast %add3A_563 : i32 to vector<16xi32>
    %add3A_565 = arith.addi %add3A_564, %iota3A : vector<16xi32>
    %add3A_566 = arith.addi %mul3A_561, %add3A_565 : vector<16xi32>
    %swap3A_567 = arith.constant 4 : i32
    %swap3A_568 = arith.index_cast %swap3A_567 : i32 to index
    %swap3A_569 = arith.constant 0 : index
    %swap3A_570 = tpu.vector_load %arg7[%swap3A_568, %swap3A_569] {strides = array<i32>} : memref<8x128xi32, #tpu.memory_space<vmem>>, vector<1x16xi32>,
    %swap3A_571 = vector.shape_cast %swap3A_570 : vector<1x16xi32> to vector<16xi32>
    %swap3A_572 = vector.shape_cast %add3A_566 : vector<16xi32> to vector<1x16xi32>
    tpu.vector_store %arg7[%swap3A_568, %swap3A_569], %swap3A_572 {strides = array<i32>} : memref<8x128xi32, #tpu.memory_space<vmem>>, vector<1x16xi32>,
    %get3A_573 = arith.constant 528 : index
    %get3A_574 = tpu.vector_load %arg6[%get3A_573] {strides = array<i32>} : memref<1024xi32, #tpu.memory_space<vmem>>, vector<16xi32>,
    %get3A_575 = vector.shape_cast %get3A_574 : vector<16xi32> to vector<16xi32>
    %mul3A_576 = arith.constant 16384 : i32
    %mul3A_577 = vector.broadcast %mul3A_576 : i32 to vector<16xi32>
    %mul3A_578 = arith.muli %get3A_575, %mul3A_577 : vector<16xi32>
    %add3A_579 = arith.constant 528 : i32
    %add3A_580 = arith.addi %mul3A_13, %add3A_579 : i32
    %add3A_581 = vector.broadcast %add3A_580 : i32 to vector<16xi32>
    %add3A_582 = arith.addi %add3A_581, %iota3A : vector<16xi32>
    %add3A_583 = arith.addi %mul3A_578, %add3A_582 : vector<16xi32>
    %swap3A_584 = arith.constant 4 : i32
    %swap3A_585 = arith.index_cast %swap3A_584 : i32 to index
    %swap3A_586 = arith.constant 16 : index
    %swap3A_587 = tpu.vector_load %arg7[%swap3A_585, %swap3A_586] {strides = array<i32>} : memref<8x128xi32, #tpu.memory_space<vmem>>, vector<1x16xi32>,
    %swap3A_588 = vector.shape_cast %swap3A_587 : vector<1x16xi32> to vector<16xi32>
    %swap3A_589 = vector.shape_cast %add3A_583 : vector<16xi32> to vector<1x16xi32>
    tpu.vector_store %arg7[%swap3A_585, %swap3A_586], %swap3A_589 {strides = array<i32>} : memref<8x128xi32, #tpu.memory_space<vmem>>, vector<1x16xi32>,
    %get3A_590 = arith.constant 544 : index
    %get3A_591 = tpu.vector_load %arg6[%get3A_590] {strides = array<i32>} : memref<1024xi32, #tpu.memory_space<vmem>>, vector<16xi32>,
    %get3A_592 = vector.shape_cast %get3A_591 : vector<16xi32> to vector<16xi32>
    %mul3A_593 = arith.constant 16384 : i32
    %mul3A_594 = vector.broadcast %mul3A_593 : i32 to vector<16xi32>
    %mul3A_595 = arith.muli %get3A_592, %mul3A_594 : vector<16xi32>
    %add3A_596 = arith.constant 544 : i32
    %add3A_597 = arith.addi %mul3A_13, %add3A_596 : i32
    %add3A_598 = vector.broadcast %add3A_597 : i32 to vector<16xi32>
    %add3A_599 = arith.addi %add3A_598, %iota3A : vector<16xi32>
    %add3A_600 = arith.addi %mul3A_595, %add3A_599 : vector<16xi32>
    %swap3A_601 = arith.constant 4 : i32
    %swap3A_602 = arith.index_cast %swap3A_601 : i32 to index
    %swap3A_603 = arith.constant 32 : index
    %swap3A_604 = tpu.vector_load %arg7[%swap3A_602, %swap3A_603] {strides = array<i32>} : memref<8x128xi32, #tpu.memory_space<vmem>>, vector<1x16xi32>,
    %swap3A_605 = vector.shape_cast %swap3A_604 : vector<1x16xi32> to vector<16xi32>
    %swap3A_606 = vector.shape_cast %add3A_600 : vector<16xi32> to vector<1x16xi32>
    tpu.vector_store %arg7[%swap3A_602, %swap3A_603], %swap3A_606 {strides = array<i32>} : memref<8x128xi32, #tpu.memory_space<vmem>>, vector<1x16xi32>,
    %get3A_607 = arith.constant 560 : index
    %get3A_608 = tpu.vector_load %arg6[%get3A_607] {strides = array<i32>} : memref<1024xi32, #tpu.memory_space<vmem>>, vector<16xi32>,
    %get3A_609 = vector.shape_cast %get3A_608 : vector<16xi32> to vector<16xi32>
    %mul3A_610 = arith.constant 16384 : i32
    %mul3A_611 = vector.broadcast %mul3A_610 : i32 to vector<16xi32>
    %mul3A_612 = arith.muli %get3A_609, %mul3A_611 : vector<16xi32>
    %add3A_613 = arith.constant 560 : i32
    %add3A_614 = arith.addi %mul3A_13, %add3A_613 : i32
    %add3A_615 = vector.broadcast %add3A_614 : i32 to vector<16xi32>
    %add3A_616 = arith.addi %add3A_615, %iota3A : vector<16xi32>
    %add3A_617 = arith.addi %mul3A_612, %add3A_616 : vector<16xi32>
    %swap3A_618 = arith.constant 4 : i32
    %swap3A_619 = arith.index_cast %swap3A_618 : i32 to index
    %swap3A_620 = arith.constant 48 : index
    %swap3A_621 = tpu.vector_load %arg7[%swap3A_619, %swap3A_620] {strides = array<i32>} : memref<8x128xi32, #tpu.memory_space<vmem>>, vector<1x16xi32>,
    %swap3A_622 = vector.shape_cast %swap3A_621 : vector<1x16xi32> to vector<16xi32>
    %swap3A_623 = vector.shape_cast %add3A_617 : vector<16xi32> to vector<1x16xi32>
    tpu.vector_store %arg7[%swap3A_619, %swap3A_620], %swap3A_623 {strides = array<i32>} : memref<8x128xi32, #tpu.memory_space<vmem>>, vector<1x16xi32>,
    %get3A_624 = arith.constant 576 : index
    %get3A_625 = tpu.vector_load %arg6[%get3A_624] {strides = array<i32>} : memref<1024xi32, #tpu.memory_space<vmem>>, vector<16xi32>,
    %get3A_626 = vector.shape_cast %get3A_625 : vector<16xi32> to vector<16xi32>
    %mul3A_627 = arith.constant 16384 : i32
    %mul3A_628 = vector.broadcast %mul3A_627 : i32 to vector<16xi32>
    %mul3A_629 = arith.muli %get3A_626, %mul3A_628 : vector<16xi32>
    %add3A_630 = arith.constant 576 : i32
    %add3A_631 = arith.addi %mul3A_13, %add3A_630 : i32
    %add3A_632 = vector.broadcast %add3A_631 : i32 to vector<16xi32>
    %add3A_633 = arith.addi %add3A_632, %iota3A : vector<16xi32>
    %add3A_634 = arith.addi %mul3A_629, %add3A_633 : vector<16xi32>
    %swap3A_635 = arith.constant 4 : i32
    %swap3A_636 = arith.index_cast %swap3A_635 : i32 to index
    %swap3A_637 = arith.constant 64 : index
    %swap3A_638 = tpu.vector_load %arg7[%swap3A_636, %swap3A_637] {strides = array<i32>} : memref<8x128xi32, #tpu.memory_space<vmem>>, vector<1x16xi32>,
    %swap3A_639 = vector.shape_cast %swap3A_638 : vector<1x16xi32> to vector<16xi32>
    %swap3A_640 = vector.shape_cast %add3A_634 : vector<16xi32> to vector<1x16xi32>
    tpu.vector_store %arg7[%swap3A_636, %swap3A_637], %swap3A_640 {strides = array<i32>} : memref<8x128xi32, #tpu.memory_space<vmem>>, vector<1x16xi32>,
    %get3A_641 = arith.constant 592 : index
    %get3A_642 = tpu.vector_load %arg6[%get3A_641] {strides = array<i32>} : memref<1024xi32, #tpu.memory_space<vmem>>, vector<16xi32>,
    %get3A_643 = vector.shape_cast %get3A_642 : vector<16xi32> to vector<16xi32>
    %mul3A_644 = arith.constant 16384 : i32
    %mul3A_645 = vector.broadcast %mul3A_644 : i32 to vector<16xi32>
    %mul3A_646 = arith.muli %get3A_643, %mul3A_645 : vector<16xi32>
    %add3A_647 = arith.constant 592 : i32
    %add3A_648 = arith.addi %mul3A_13, %add3A_647 : i32
    %add3A_649 = vector.broadcast %add3A_648 : i32 to vector<16xi32>
    %add3A_650 = arith.addi %add3A_649, %iota3A : vector<16xi32>
    %add3A_651 = arith.addi %mul3A_646, %add3A_650 : vector<16xi32>
    %swap3A_652 = arith.constant 4 : i32
    %swap3A_653 = arith.index_cast %swap3A_652 : i32 to index
    %swap3A_654 = arith.constant 80 : index
    %swap3A_655 = tpu.vector_load %arg7[%swap3A_653, %swap3A_654] {strides = array<i32>} : memref<8x128xi32, #tpu.memory_space<vmem>>, vector<1x16xi32>,
    %swap3A_656 = vector.shape_cast %swap3A_655 : vector<1x16xi32> to vector<16xi32>
    %swap3A_657 = vector.shape_cast %add3A_651 : vector<16xi32> to vector<1x16xi32>
    tpu.vector_store %arg7[%swap3A_653, %swap3A_654], %swap3A_657 {strides = array<i32>} : memref<8x128xi32, #tpu.memory_space<vmem>>, vector<1x16xi32>,
    %get3A_658 = arith.constant 608 : index
    %get3A_659 = tpu.vector_load %arg6[%get3A_658] {strides = array<i32>} : memref<1024xi32, #tpu.memory_space<vmem>>, vector<16xi32>,
    %get3A_660 = vector.shape_cast %get3A_659 : vector<16xi32> to vector<16xi32>
    %mul3A_661 = arith.constant 16384 : i32
    %mul3A_662 = vector.broadcast %mul3A_661 : i32 to vector<16xi32>
    %mul3A_663 = arith.muli %get3A_660, %mul3A_662 : vector<16xi32>
    %add3A_664 = arith.constant 608 : i32
    %add3A_665 = arith.addi %mul3A_13, %add3A_664 : i32
    %add3A_666 = vector.broadcast %add3A_665 : i32 to vector<16xi32>
    %add3A_667 = arith.addi %add3A_666, %iota3A : vector<16xi32>
    %add3A_668 = arith.addi %mul3A_663, %add3A_667 : vector<16xi32>
    %swap3A_669 = arith.constant 4 : i32
    %swap3A_670 = arith.index_cast %swap3A_669 : i32 to index
    %swap3A_671 = arith.constant 96 : index
    %swap3A_672 = tpu.vector_load %arg7[%swap3A_670, %swap3A_671] {strides = array<i32>} : memref<8x128xi32, #tpu.memory_space<vmem>>, vector<1x16xi32>,
    %swap3A_673 = vector.shape_cast %swap3A_672 : vector<1x16xi32> to vector<16xi32>
    %swap3A_674 = vector.shape_cast %add3A_668 : vector<16xi32> to vector<1x16xi32>
    tpu.vector_store %arg7[%swap3A_670, %swap3A_671], %swap3A_674 {strides = array<i32>} : memref<8x128xi32, #tpu.memory_space<vmem>>, vector<1x16xi32>,
    %get3A_675 = arith.constant 624 : index
    %get3A_676 = tpu.vector_load %arg6[%get3A_675] {strides = array<i32>} : memref<1024xi32, #tpu.memory_space<vmem>>, vector<16xi32>,
    %get3A_677 = vector.shape_cast %get3A_676 : vector<16xi32> to vector<16xi32>
    %mul3A_678 = arith.constant 16384 : i32
    %mul3A_679 = vector.broadcast %mul3A_678 : i32 to vector<16xi32>
    %mul3A_680 = arith.muli %get3A_677, %mul3A_679 : vector<16xi32>
    %add3A_681 = arith.constant 624 : i32
    %add3A_682 = arith.addi %mul3A_13, %add3A_681 : i32
    %add3A_683 = vector.broadcast %add3A_682 : i32 to vector<16xi32>
    %add3A_684 = arith.addi %add3A_683, %iota3A : vector<16xi32>
    %add3A_685 = arith.addi %mul3A_680, %add3A_684 : vector<16xi32>
    %swap3A_686 = arith.constant 4 : i32
    %swap3A_687 = arith.index_cast %swap3A_686 : i32 to index
    %swap3A_688 = arith.constant 112 : index
    %swap3A_689 = tpu.vector_load %arg7[%swap3A_687, %swap3A_688] {strides = array<i32>} : memref<8x128xi32, #tpu.memory_space<vmem>>, vector<1x16xi32>,
    %swap3A_690 = vector.shape_cast %swap3A_689 : vector<1x16xi32> to vector<16xi32>
    %swap3A_691 = vector.shape_cast %add3A_685 : vector<16xi32> to vector<1x16xi32>
    tpu.vector_store %arg7[%swap3A_687, %swap3A_688], %swap3A_691 {strides = array<i32>} : memref<8x128xi32, #tpu.memory_space<vmem>>, vector<1x16xi32>,
    %get3A_692 = arith.constant 640 : index
    %get3A_693 = tpu.vector_load %arg6[%get3A_692] {strides = array<i32>} : memref<1024xi32, #tpu.memory_space<vmem>>, vector<16xi32>,
    %get3A_694 = vector.shape_cast %get3A_693 : vector<16xi32> to vector<16xi32>
    %mul3A_695 = arith.constant 16384 : i32
    %mul3A_696 = vector.broadcast %mul3A_695 : i32 to vector<16xi32>
    %mul3A_697 = arith.muli %get3A_694, %mul3A_696 : vector<16xi32>
    %add3A_698 = arith.constant 640 : i32
    %add3A_699 = arith.addi %mul3A_13, %add3A_698 : i32
    %add3A_700 = vector.broadcast %add3A_699 : i32 to vector<16xi32>
    %add3A_701 = arith.addi %add3A_700, %iota3A : vector<16xi32>
    %add3A_702 = arith.addi %mul3A_697, %add3A_701 : vector<16xi32>
    %swap3A_703 = arith.constant 5 : i32
    %swap3A_704 = arith.index_cast %swap3A_703 : i32 to index
    %swap3A_705 = arith.constant 0 : index
    %swap3A_706 = tpu.vector_load %arg7[%swap3A_704, %swap3A_705] {strides = array<i32>} : memref<8x128xi32, #tpu.memory_space<vmem>>, vector<1x16xi32>,
    %swap3A_707 = vector.shape_cast %swap3A_706 : vector<1x16xi32> to vector<16xi32>
    %swap3A_708 = vector.shape_cast %add3A_702 : vector<16xi32> to vector<1x16xi32>
    tpu.vector_store %arg7[%swap3A_704, %swap3A_705], %swap3A_708 {strides = array<i32>} : memref<8x128xi32, #tpu.memory_space<vmem>>, vector<1x16xi32>,
    %get3A_709 = arith.constant 656 : index
    %get3A_710 = tpu.vector_load %arg6[%get3A_709] {strides = array<i32>} : memref<1024xi32, #tpu.memory_space<vmem>>, vector<16xi32>,
    %get3A_711 = vector.shape_cast %get3A_710 : vector<16xi32> to vector<16xi32>
    %mul3A_712 = arith.constant 16384 : i32
    %mul3A_713 = vector.broadcast %mul3A_712 : i32 to vector<16xi32>
    %mul3A_714 = arith.muli %get3A_711, %mul3A_713 : vector<16xi32>
    %add3A_715 = arith.constant 656 : i32
    %add3A_716 = arith.addi %mul3A_13, %add3A_715 : i32
    %add3A_717 = vector.broadcast %add3A_716 : i32 to vector<16xi32>
    %add3A_718 = arith.addi %add3A_717, %iota3A : vector<16xi32>
    %add3A_719 = arith.addi %mul3A_714, %add3A_718 : vector<16xi32>
    %swap3A_720 = arith.constant 5 : i32
    %swap3A_721 = arith.index_cast %swap3A_720 : i32 to index
    %swap3A_722 = arith.constant 16 : index
    %swap3A_723 = tpu.vector_load %arg7[%swap3A_721, %swap3A_722] {strides = array<i32>} : memref<8x128xi32, #tpu.memory_space<vmem>>, vector<1x16xi32>,
    %swap3A_724 = vector.shape_cast %swap3A_723 : vector<1x16xi32> to vector<16xi32>
    %swap3A_725 = vector.shape_cast %add3A_719 : vector<16xi32> to vector<1x16xi32>
    tpu.vector_store %arg7[%swap3A_721, %swap3A_722], %swap3A_725 {strides = array<i32>} : memref<8x128xi32, #tpu.memory_space<vmem>>, vector<1x16xi32>,
    %get3A_726 = arith.constant 672 : index
    %get3A_727 = tpu.vector_load %arg6[%get3A_726] {strides = array<i32>} : memref<1024xi32, #tpu.memory_space<vmem>>, vector<16xi32>,
    %get3A_728 = vector.shape_cast %get3A_727 : vector<16xi32> to vector<16xi32>
    %mul3A_729 = arith.constant 16384 : i32
    %mul3A_730 = vector.broadcast %mul3A_729 : i32 to vector<16xi32>
    %mul3A_731 = arith.muli %get3A_728, %mul3A_730 : vector<16xi32>
    %add3A_732 = arith.constant 672 : i32
    %add3A_733 = arith.addi %mul3A_13, %add3A_732 : i32
    %add3A_734 = vector.broadcast %add3A_733 : i32 to vector<16xi32>
    %add3A_735 = arith.addi %add3A_734, %iota3A : vector<16xi32>
    %add3A_736 = arith.addi %mul3A_731, %add3A_735 : vector<16xi32>
    %swap3A_737 = arith.constant 5 : i32
    %swap3A_738 = arith.index_cast %swap3A_737 : i32 to index
    %swap3A_739 = arith.constant 32 : index
    %swap3A_740 = tpu.vector_load %arg7[%swap3A_738, %swap3A_739] {strides = array<i32>} : memref<8x128xi32, #tpu.memory_space<vmem>>, vector<1x16xi32>,
    %swap3A_741 = vector.shape_cast %swap3A_740 : vector<1x16xi32> to vector<16xi32>
    %swap3A_742 = vector.shape_cast %add3A_736 : vector<16xi32> to vector<1x16xi32>
    tpu.vector_store %arg7[%swap3A_738, %swap3A_739], %swap3A_742 {strides = array<i32>} : memref<8x128xi32, #tpu.memory_space<vmem>>, vector<1x16xi32>,
    %get3A_743 = arith.constant 688 : index
    %get3A_744 = tpu.vector_load %arg6[%get3A_743] {strides = array<i32>} : memref<1024xi32, #tpu.memory_space<vmem>>, vector<16xi32>,
    %get3A_745 = vector.shape_cast %get3A_744 : vector<16xi32> to vector<16xi32>
    %mul3A_746 = arith.constant 16384 : i32
    %mul3A_747 = vector.broadcast %mul3A_746 : i32 to vector<16xi32>
    %mul3A_748 = arith.muli %get3A_745, %mul3A_747 : vector<16xi32>
    %add3A_749 = arith.constant 688 : i32
    %add3A_750 = arith.addi %mul3A_13, %add3A_749 : i32
    %add3A_751 = vector.broadcast %add3A_750 : i32 to vector<16xi32>
    %add3A_752 = arith.addi %add3A_751, %iota3A : vector<16xi32>
    %add3A_753 = arith.addi %mul3A_748, %add3A_752 : vector<16xi32>
    %swap3A_754 = arith.constant 5 : i32
    %swap3A_755 = arith.index_cast %swap3A_754 : i32 to index
    %swap3A_756 = arith.constant 48 : index
    %swap3A_757 = tpu.vector_load %arg7[%swap3A_755, %swap3A_756] {strides = array<i32>} : memref<8x128xi32, #tpu.memory_space<vmem>>, vector<1x16xi32>,
    %swap3A_758 = vector.shape_cast %swap3A_757 : vector<1x16xi32> to vector<16xi32>
    %swap3A_759 = vector.shape_cast %add3A_753 : vector<16xi32> to vector<1x16xi32>
    tpu.vector_store %arg7[%swap3A_755, %swap3A_756], %swap3A_759 {strides = array<i32>} : memref<8x128xi32, #tpu.memory_space<vmem>>, vector<1x16xi32>,
    %get3A_760 = arith.constant 704 : index
    %get3A_761 = tpu.vector_load %arg6[%get3A_760] {strides = array<i32>} : memref<1024xi32, #tpu.memory_space<vmem>>, vector<16xi32>,
    %get3A_762 = vector.shape_cast %get3A_761 : vector<16xi32> to vector<16xi32>
    %mul3A_763 = arith.constant 16384 : i32
    %mul3A_764 = vector.broadcast %mul3A_763 : i32 to vector<16xi32>
    %mul3A_765 = arith.muli %get3A_762, %mul3A_764 : vector<16xi32>
    %add3A_766 = arith.constant 704 : i32
    %add3A_767 = arith.addi %mul3A_13, %add3A_766 : i32
    %add3A_768 = vector.broadcast %add3A_767 : i32 to vector<16xi32>
    %add3A_769 = arith.addi %add3A_768, %iota3A : vector<16xi32>
    %add3A_770 = arith.addi %mul3A_765, %add3A_769 : vector<16xi32>
    %swap3A_771 = arith.constant 5 : i32
    %swap3A_772 = arith.index_cast %swap3A_771 : i32 to index
    %swap3A_773 = arith.constant 64 : index
    %swap3A_774 = tpu.vector_load %arg7[%swap3A_772, %swap3A_773] {strides = array<i32>} : memref<8x128xi32, #tpu.memory_space<vmem>>, vector<1x16xi32>,
    %swap3A_775 = vector.shape_cast %swap3A_774 : vector<1x16xi32> to vector<16xi32>
    %swap3A_776 = vector.shape_cast %add3A_770 : vector<16xi32> to vector<1x16xi32>
    tpu.vector_store %arg7[%swap3A_772, %swap3A_773], %swap3A_776 {strides = array<i32>} : memref<8x128xi32, #tpu.memory_space<vmem>>, vector<1x16xi32>,
    %get3A_777 = arith.constant 720 : index
    %get3A_778 = tpu.vector_load %arg6[%get3A_777] {strides = array<i32>} : memref<1024xi32, #tpu.memory_space<vmem>>, vector<16xi32>,
    %get3A_779 = vector.shape_cast %get3A_778 : vector<16xi32> to vector<16xi32>
    %mul3A_780 = arith.constant 16384 : i32
    %mul3A_781 = vector.broadcast %mul3A_780 : i32 to vector<16xi32>
    %mul3A_782 = arith.muli %get3A_779, %mul3A_781 : vector<16xi32>
    %add3A_783 = arith.constant 720 : i32
    %add3A_784 = arith.addi %mul3A_13, %add3A_783 : i32
    %add3A_785 = vector.broadcast %add3A_784 : i32 to vector<16xi32>
    %add3A_786 = arith.addi %add3A_785, %iota3A : vector<16xi32>
    %add3A_787 = arith.addi %mul3A_782, %add3A_786 : vector<16xi32>
    %swap3A_788 = arith.constant 5 : i32
    %swap3A_789 = arith.index_cast %swap3A_788 : i32 to index
    %swap3A_790 = arith.constant 80 : index
    %swap3A_791 = tpu.vector_load %arg7[%swap3A_789, %swap3A_790] {strides = array<i32>} : memref<8x128xi32, #tpu.memory_space<vmem>>, vector<1x16xi32>,
    %swap3A_792 = vector.shape_cast %swap3A_791 : vector<1x16xi32> to vector<16xi32>
    %swap3A_793 = vector.shape_cast %add3A_787 : vector<16xi32> to vector<1x16xi32>
    tpu.vector_store %arg7[%swap3A_789, %swap3A_790], %swap3A_793 {strides = array<i32>} : memref<8x128xi32, #tpu.memory_space<vmem>>, vector<1x16xi32>,
    %get3A_794 = arith.constant 736 : index
    %get3A_795 = tpu.vector_load %arg6[%get3A_794] {strides = array<i32>} : memref<1024xi32, #tpu.memory_space<vmem>>, vector<16xi32>,
    %get3A_796 = vector.shape_cast %get3A_795 : vector<16xi32> to vector<16xi32>
    %mul3A_797 = arith.constant 16384 : i32
    %mul3A_798 = vector.broadcast %mul3A_797 : i32 to vector<16xi32>
    %mul3A_799 = arith.muli %get3A_796, %mul3A_798 : vector<16xi32>
    %add3A_800 = arith.constant 736 : i32
    %add3A_801 = arith.addi %mul3A_13, %add3A_800 : i32
    %add3A_802 = vector.broadcast %add3A_801 : i32 to vector<16xi32>
    %add3A_803 = arith.addi %add3A_802, %iota3A : vector<16xi32>
    %add3A_804 = arith.addi %mul3A_799, %add3A_803 : vector<16xi32>
    %swap3A_805 = arith.constant 5 : i32
    %swap3A_806 = arith.index_cast %swap3A_805 : i32 to index
    %swap3A_807 = arith.constant 96 : index
    %swap3A_808 = tpu.vector_load %arg7[%swap3A_806, %swap3A_807] {strides = array<i32>} : memref<8x128xi32, #tpu.memory_space<vmem>>, vector<1x16xi32>,
    %swap3A_809 = vector.shape_cast %swap3A_808 : vector<1x16xi32> to vector<16xi32>
    %swap3A_810 = vector.shape_cast %add3A_804 : vector<16xi32> to vector<1x16xi32>
    tpu.vector_store %arg7[%swap3A_806, %swap3A_807], %swap3A_810 {strides = array<i32>} : memref<8x128xi32, #tpu.memory_space<vmem>>, vector<1x16xi32>,
    %get3A_811 = arith.constant 752 : index
    %get3A_812 = tpu.vector_load %arg6[%get3A_811] {strides = array<i32>} : memref<1024xi32, #tpu.memory_space<vmem>>, vector<16xi32>,
    %get3A_813 = vector.shape_cast %get3A_812 : vector<16xi32> to vector<16xi32>
    %mul3A_814 = arith.constant 16384 : i32
    %mul3A_815 = vector.broadcast %mul3A_814 : i32 to vector<16xi32>
    %mul3A_816 = arith.muli %get3A_813, %mul3A_815 : vector<16xi32>
    %add3A_817 = arith.constant 752 : i32
    %add3A_818 = arith.addi %mul3A_13, %add3A_817 : i32
    %add3A_819 = vector.broadcast %add3A_818 : i32 to vector<16xi32>
    %add3A_820 = arith.addi %add3A_819, %iota3A : vector<16xi32>
    %add3A_821 = arith.addi %mul3A_816, %add3A_820 : vector<16xi32>
    %swap3A_822 = arith.constant 5 : i32
    %swap3A_823 = arith.index_cast %swap3A_822 : i32 to index
    %swap3A_824 = arith.constant 112 : index
    %swap3A_825 = tpu.vector_load %arg7[%swap3A_823, %swap3A_824] {strides = array<i32>} : memref<8x128xi32, #tpu.memory_space<vmem>>, vector<1x16xi32>,
    %swap3A_826 = vector.shape_cast %swap3A_825 : vector<1x16xi32> to vector<16xi32>
    %swap3A_827 = vector.shape_cast %add3A_821 : vector<16xi32> to vector<1x16xi32>
    tpu.vector_store %arg7[%swap3A_823, %swap3A_824], %swap3A_827 {strides = array<i32>} : memref<8x128xi32, #tpu.memory_space<vmem>>, vector<1x16xi32>,
    %get3A_828 = arith.constant 768 : index
    %get3A_829 = tpu.vector_load %arg6[%get3A_828] {strides = array<i32>} : memref<1024xi32, #tpu.memory_space<vmem>>, vector<16xi32>,
    %get3A_830 = vector.shape_cast %get3A_829 : vector<16xi32> to vector<16xi32>
    %mul3A_831 = arith.constant 16384 : i32
    %mul3A_832 = vector.broadcast %mul3A_831 : i32 to vector<16xi32>
    %mul3A_833 = arith.muli %get3A_830, %mul3A_832 : vector<16xi32>
    %add3A_834 = arith.constant 768 : i32
    %add3A_835 = arith.addi %mul3A_13, %add3A_834 : i32
    %add3A_836 = vector.broadcast %add3A_835 : i32 to vector<16xi32>
    %add3A_837 = arith.addi %add3A_836, %iota3A : vector<16xi32>
    %add3A_838 = arith.addi %mul3A_833, %add3A_837 : vector<16xi32>
    %swap3A_839 = arith.constant 6 : i32
    %swap3A_840 = arith.index_cast %swap3A_839 : i32 to index
    %swap3A_841 = arith.constant 0 : index
    %swap3A_842 = tpu.vector_load %arg7[%swap3A_840, %swap3A_841] {strides = array<i32>} : memref<8x128xi32, #tpu.memory_space<vmem>>, vector<1x16xi32>,
    %swap3A_843 = vector.shape_cast %swap3A_842 : vector<1x16xi32> to vector<16xi32>
    %swap3A_844 = vector.shape_cast %add3A_838 : vector<16xi32> to vector<1x16xi32>
    tpu.vector_store %arg7[%swap3A_840, %swap3A_841], %swap3A_844 {strides = array<i32>} : memref<8x128xi32, #tpu.memory_space<vmem>>, vector<1x16xi32>,
    %get3A_845 = arith.constant 784 : index
    %get3A_846 = tpu.vector_load %arg6[%get3A_845] {strides = array<i32>} : memref<1024xi32, #tpu.memory_space<vmem>>, vector<16xi32>,
    %get3A_847 = vector.shape_cast %get3A_846 : vector<16xi32> to vector<16xi32>
    %mul3A_848 = arith.constant 16384 : i32
    %mul3A_849 = vector.broadcast %mul3A_848 : i32 to vector<16xi32>
    %mul3A_850 = arith.muli %get3A_847, %mul3A_849 : vector<16xi32>
    %add3A_851 = arith.constant 784 : i32
    %add3A_852 = arith.addi %mul3A_13, %add3A_851 : i32
    %add3A_853 = vector.broadcast %add3A_852 : i32 to vector<16xi32>
    %add3A_854 = arith.addi %add3A_853, %iota3A : vector<16xi32>
    %add3A_855 = arith.addi %mul3A_850, %add3A_854 : vector<16xi32>
    %swap3A_856 = arith.constant 6 : i32
    %swap3A_857 = arith.index_cast %swap3A_856 : i32 to index
    %swap3A_858 = arith.constant 16 : index
    %swap3A_859 = tpu.vector_load %arg7[%swap3A_857, %swap3A_858] {strides = array<i32>} : memref<8x128xi32, #tpu.memory_space<vmem>>, vector<1x16xi32>,
    %swap3A_860 = vector.shape_cast %swap3A_859 : vector<1x16xi32> to vector<16xi32>
    %swap3A_861 = vector.shape_cast %add3A_855 : vector<16xi32> to vector<1x16xi32>
    tpu.vector_store %arg7[%swap3A_857, %swap3A_858], %swap3A_861 {strides = array<i32>} : memref<8x128xi32, #tpu.memory_space<vmem>>, vector<1x16xi32>,
    %get3A_862 = arith.constant 800 : index
    %get3A_863 = tpu.vector_load %arg6[%get3A_862] {strides = array<i32>} : memref<1024xi32, #tpu.memory_space<vmem>>, vector<16xi32>,
    %get3A_864 = vector.shape_cast %get3A_863 : vector<16xi32> to vector<16xi32>
    %mul3A_865 = arith.constant 16384 : i32
    %mul3A_866 = vector.broadcast %mul3A_865 : i32 to vector<16xi32>
    %mul3A_867 = arith.muli %get3A_864, %mul3A_866 : vector<16xi32>
    %add3A_868 = arith.constant 800 : i32
    %add3A_869 = arith.addi %mul3A_13, %add3A_868 : i32
    %add3A_870 = vector.broadcast %add3A_869 : i32 to vector<16xi32>
    %add3A_871 = arith.addi %add3A_870, %iota3A : vector<16xi32>
    %add3A_872 = arith.addi %mul3A_867, %add3A_871 : vector<16xi32>
    %swap3A_873 = arith.constant 6 : i32
    %swap3A_874 = arith.index_cast %swap3A_873 : i32 to index
    %swap3A_875 = arith.constant 32 : index
    %swap3A_876 = tpu.vector_load %arg7[%swap3A_874, %swap3A_875] {strides = array<i32>} : memref<8x128xi32, #tpu.memory_space<vmem>>, vector<1x16xi32>,
    %swap3A_877 = vector.shape_cast %swap3A_876 : vector<1x16xi32> to vector<16xi32>
    %swap3A_878 = vector.shape_cast %add3A_872 : vector<16xi32> to vector<1x16xi32>
    tpu.vector_store %arg7[%swap3A_874, %swap3A_875], %swap3A_878 {strides = array<i32>} : memref<8x128xi32, #tpu.memory_space<vmem>>, vector<1x16xi32>,
    %get3A_879 = arith.constant 816 : index
    %get3A_880 = tpu.vector_load %arg6[%get3A_879] {strides = array<i32>} : memref<1024xi32, #tpu.memory_space<vmem>>, vector<16xi32>,
    %get3A_881 = vector.shape_cast %get3A_880 : vector<16xi32> to vector<16xi32>
    %mul3A_882 = arith.constant 16384 : i32
    %mul3A_883 = vector.broadcast %mul3A_882 : i32 to vector<16xi32>
    %mul3A_884 = arith.muli %get3A_881, %mul3A_883 : vector<16xi32>
    %add3A_885 = arith.constant 816 : i32
    %add3A_886 = arith.addi %mul3A_13, %add3A_885 : i32
    %add3A_887 = vector.broadcast %add3A_886 : i32 to vector<16xi32>
    %add3A_888 = arith.addi %add3A_887, %iota3A : vector<16xi32>
    %add3A_889 = arith.addi %mul3A_884, %add3A_888 : vector<16xi32>
    %swap3A_890 = arith.constant 6 : i32
    %swap3A_891 = arith.index_cast %swap3A_890 : i32 to index
    %swap3A_892 = arith.constant 48 : index
    %swap3A_893 = tpu.vector_load %arg7[%swap3A_891, %swap3A_892] {strides = array<i32>} : memref<8x128xi32, #tpu.memory_space<vmem>>, vector<1x16xi32>,
    %swap3A_894 = vector.shape_cast %swap3A_893 : vector<1x16xi32> to vector<16xi32>
    %swap3A_895 = vector.shape_cast %add3A_889 : vector<16xi32> to vector<1x16xi32>
    tpu.vector_store %arg7[%swap3A_891, %swap3A_892], %swap3A_895 {strides = array<i32>} : memref<8x128xi32, #tpu.memory_space<vmem>>, vector<1x16xi32>,
    %get3A_896 = arith.constant 832 : index
    %get3A_897 = tpu.vector_load %arg6[%get3A_896] {strides = array<i32>} : memref<1024xi32, #tpu.memory_space<vmem>>, vector<16xi32>,
    %get3A_898 = vector.shape_cast %get3A_897 : vector<16xi32> to vector<16xi32>
    %mul3A_899 = arith.constant 16384 : i32
    %mul3A_900 = vector.broadcast %mul3A_899 : i32 to vector<16xi32>
    %mul3A_901 = arith.muli %get3A_898, %mul3A_900 : vector<16xi32>
    %add3A_902 = arith.constant 832 : i32
    %add3A_903 = arith.addi %mul3A_13, %add3A_902 : i32
    %add3A_904 = vector.broadcast %add3A_903 : i32 to vector<16xi32>
    %add3A_905 = arith.addi %add3A_904, %iota3A : vector<16xi32>
    %add3A_906 = arith.addi %mul3A_901, %add3A_905 : vector<16xi32>
    %swap3A_907 = arith.constant 6 : i32
    %swap3A_908 = arith.index_cast %swap3A_907 : i32 to index
    %swap3A_909 = arith.constant 64 : index
    %swap3A_910 = tpu.vector_load %arg7[%swap3A_908, %swap3A_909] {strides = array<i32>} : memref<8x128xi32, #tpu.memory_space<vmem>>, vector<1x16xi32>,
    %swap3A_911 = vector.shape_cast %swap3A_910 : vector<1x16xi32> to vector<16xi32>
    %swap3A_912 = vector.shape_cast %add3A_906 : vector<16xi32> to vector<1x16xi32>
    tpu.vector_store %arg7[%swap3A_908, %swap3A_909], %swap3A_912 {strides = array<i32>} : memref<8x128xi32, #tpu.memory_space<vmem>>, vector<1x16xi32>,
    %get3A_913 = arith.constant 848 : index
    %get3A_914 = tpu.vector_load %arg6[%get3A_913] {strides = array<i32>} : memref<1024xi32, #tpu.memory_space<vmem>>, vector<16xi32>,
    %get3A_915 = vector.shape_cast %get3A_914 : vector<16xi32> to vector<16xi32>
    %mul3A_916 = arith.constant 16384 : i32
    %mul3A_917 = vector.broadcast %mul3A_916 : i32 to vector<16xi32>
    %mul3A_918 = arith.muli %get3A_915, %mul3A_917 : vector<16xi32>
    %add3A_919 = arith.constant 848 : i32
    %add3A_920 = arith.addi %mul3A_13, %add3A_919 : i32
    %add3A_921 = vector.broadcast %add3A_920 : i32 to vector<16xi32>
    %add3A_922 = arith.addi %add3A_921, %iota3A : vector<16xi32>
    %add3A_923 = arith.addi %mul3A_918, %add3A_922 : vector<16xi32>
    %swap3A_924 = arith.constant 6 : i32
    %swap3A_925 = arith.index_cast %swap3A_924 : i32 to index
    %swap3A_926 = arith.constant 80 : index
    %swap3A_927 = tpu.vector_load %arg7[%swap3A_925, %swap3A_926] {strides = array<i32>} : memref<8x128xi32, #tpu.memory_space<vmem>>, vector<1x16xi32>,
    %swap3A_928 = vector.shape_cast %swap3A_927 : vector<1x16xi32> to vector<16xi32>
    %swap3A_929 = vector.shape_cast %add3A_923 : vector<16xi32> to vector<1x16xi32>
    tpu.vector_store %arg7[%swap3A_925, %swap3A_926], %swap3A_929 {strides = array<i32>} : memref<8x128xi32, #tpu.memory_space<vmem>>, vector<1x16xi32>,
    %get3A_930 = arith.constant 864 : index
    %get3A_931 = tpu.vector_load %arg6[%get3A_930] {strides = array<i32>} : memref<1024xi32, #tpu.memory_space<vmem>>, vector<16xi32>,
    %get3A_932 = vector.shape_cast %get3A_931 : vector<16xi32> to vector<16xi32>
    %mul3A_933 = arith.constant 16384 : i32
    %mul3A_934 = vector.broadcast %mul3A_933 : i32 to vector<16xi32>
    %mul3A_935 = arith.muli %get3A_932, %mul3A_934 : vector<16xi32>
    %add3A_936 = arith.constant 864 : i32
    %add3A_937 = arith.addi %mul3A_13, %add3A_936 : i32
    %add3A_938 = vector.broadcast %add3A_937 : i32 to vector<16xi32>
    %add3A_939 = arith.addi %add3A_938, %iota3A : vector<16xi32>
    %add3A_940 = arith.addi %mul3A_935, %add3A_939 : vector<16xi32>
    %swap3A_941 = arith.constant 6 : i32
    %swap3A_942 = arith.index_cast %swap3A_941 : i32 to index
    %swap3A_943 = arith.constant 96 : index
    %swap3A_944 = tpu.vector_load %arg7[%swap3A_942, %swap3A_943] {strides = array<i32>} : memref<8x128xi32, #tpu.memory_space<vmem>>, vector<1x16xi32>,
    %swap3A_945 = vector.shape_cast %swap3A_944 : vector<1x16xi32> to vector<16xi32>
    %swap3A_946 = vector.shape_cast %add3A_940 : vector<16xi32> to vector<1x16xi32>
    tpu.vector_store %arg7[%swap3A_942, %swap3A_943], %swap3A_946 {strides = array<i32>} : memref<8x128xi32, #tpu.memory_space<vmem>>, vector<1x16xi32>,
    %get3A_947 = arith.constant 880 : index
    %get3A_948 = tpu.vector_load %arg6[%get3A_947] {strides = array<i32>} : memref<1024xi32, #tpu.memory_space<vmem>>, vector<16xi32>,
    %get3A_949 = vector.shape_cast %get3A_948 : vector<16xi32> to vector<16xi32>
    %mul3A_950 = arith.constant 16384 : i32
    %mul3A_951 = vector.broadcast %mul3A_950 : i32 to vector<16xi32>
    %mul3A_952 = arith.muli %get3A_949, %mul3A_951 : vector<16xi32>
    %add3A_953 = arith.constant 880 : i32
    %add3A_954 = arith.addi %mul3A_13, %add3A_953 : i32
    %add3A_955 = vector.broadcast %add3A_954 : i32 to vector<16xi32>
    %add3A_956 = arith.addi %add3A_955, %iota3A : vector<16xi32>
    %add3A_957 = arith.addi %mul3A_952, %add3A_956 : vector<16xi32>
    %swap3A_958 = arith.constant 6 : i32
    %swap3A_959 = arith.index_cast %swap3A_958 : i32 to index
    %swap3A_960 = arith.constant 112 : index
    %swap3A_961 = tpu.vector_load %arg7[%swap3A_959, %swap3A_960] {strides = array<i32>} : memref<8x128xi32, #tpu.memory_space<vmem>>, vector<1x16xi32>,
    %swap3A_962 = vector.shape_cast %swap3A_961 : vector<1x16xi32> to vector<16xi32>
    %swap3A_963 = vector.shape_cast %add3A_957 : vector<16xi32> to vector<1x16xi32>
    tpu.vector_store %arg7[%swap3A_959, %swap3A_960], %swap3A_963 {strides = array<i32>} : memref<8x128xi32, #tpu.memory_space<vmem>>, vector<1x16xi32>,
    %get3A_964 = arith.constant 896 : index
    %get3A_965 = tpu.vector_load %arg6[%get3A_964] {strides = array<i32>} : memref<1024xi32, #tpu.memory_space<vmem>>, vector<16xi32>,
    %get3A_966 = vector.shape_cast %get3A_965 : vector<16xi32> to vector<16xi32>
    %mul3A_967 = arith.constant 16384 : i32
    %mul3A_968 = vector.broadcast %mul3A_967 : i32 to vector<16xi32>
    %mul3A_969 = arith.muli %get3A_966, %mul3A_968 : vector<16xi32>
    %add3A_970 = arith.constant 896 : i32
    %add3A_971 = arith.addi %mul3A_13, %add3A_970 : i32
    %add3A_972 = vector.broadcast %add3A_971 : i32 to vector<16xi32>
    %add3A_973 = arith.addi %add3A_972, %iota3A : vector<16xi32>
    %add3A_974 = arith.addi %mul3A_969, %add3A_973 : vector<16xi32>
    %swap3A_975 = arith.constant 7 : i32
    %swap3A_976 = arith.index_cast %swap3A_975 : i32 to index
    %swap3A_977 = arith.constant 0 : index
    %swap3A_978 = tpu.vector_load %arg7[%swap3A_976, %swap3A_977] {strides = array<i32>} : memref<8x128xi32, #tpu.memory_space<vmem>>, vector<1x16xi32>,
    %swap3A_979 = vector.shape_cast %swap3A_978 : vector<1x16xi32> to vector<16xi32>
    %swap3A_980 = vector.shape_cast %add3A_974 : vector<16xi32> to vector<1x16xi32>
    tpu.vector_store %arg7[%swap3A_976, %swap3A_977], %swap3A_980 {strides = array<i32>} : memref<8x128xi32, #tpu.memory_space<vmem>>, vector<1x16xi32>,
    %get3A_981 = arith.constant 912 : index
    %get3A_982 = tpu.vector_load %arg6[%get3A_981] {strides = array<i32>} : memref<1024xi32, #tpu.memory_space<vmem>>, vector<16xi32>,
    %get3A_983 = vector.shape_cast %get3A_982 : vector<16xi32> to vector<16xi32>
    %mul3A_984 = arith.constant 16384 : i32
    %mul3A_985 = vector.broadcast %mul3A_984 : i32 to vector<16xi32>
    %mul3A_986 = arith.muli %get3A_983, %mul3A_985 : vector<16xi32>
    %add3A_987 = arith.constant 912 : i32
    %add3A_988 = arith.addi %mul3A_13, %add3A_987 : i32
    %add3A_989 = vector.broadcast %add3A_988 : i32 to vector<16xi32>
    %add3A_990 = arith.addi %add3A_989, %iota3A : vector<16xi32>
    %add3A_991 = arith.addi %mul3A_986, %add3A_990 : vector<16xi32>
    %swap3A_992 = arith.constant 7 : i32
    %swap3A_993 = arith.index_cast %swap3A_992 : i32 to index
    %swap3A_994 = arith.constant 16 : index
    %swap3A_995 = tpu.vector_load %arg7[%swap3A_993, %swap3A_994] {strides = array<i32>} : memref<8x128xi32, #tpu.memory_space<vmem>>, vector<1x16xi32>,
    %swap3A_996 = vector.shape_cast %swap3A_995 : vector<1x16xi32> to vector<16xi32>
    %swap3A_997 = vector.shape_cast %add3A_991 : vector<16xi32> to vector<1x16xi32>
    tpu.vector_store %arg7[%swap3A_993, %swap3A_994], %swap3A_997 {strides = array<i32>} : memref<8x128xi32, #tpu.memory_space<vmem>>, vector<1x16xi32>,
    %get3A_998 = arith.constant 928 : index
    %get3A_999 = tpu.vector_load %arg6[%get3A_998] {strides = array<i32>} : memref<1024xi32, #tpu.memory_space<vmem>>, vector<16xi32>,
    %get3A_1000 = vector.shape_cast %get3A_999 : vector<16xi32> to vector<16xi32>
    %mul3A_1001 = arith.constant 16384 : i32
    %mul3A_1002 = vector.broadcast %mul3A_1001 : i32 to vector<16xi32>
    %mul3A_1003 = arith.muli %get3A_1000, %mul3A_1002 : vector<16xi32>
    %add3A_1004 = arith.constant 928 : i32
    %add3A_1005 = arith.addi %mul3A_13, %add3A_1004 : i32
    %add3A_1006 = vector.broadcast %add3A_1005 : i32 to vector<16xi32>
    %add3A_1007 = arith.addi %add3A_1006, %iota3A : vector<16xi32>
    %add3A_1008 = arith.addi %mul3A_1003, %add3A_1007 : vector<16xi32>
    %swap3A_1009 = arith.constant 7 : i32
    %swap3A_1010 = arith.index_cast %swap3A_1009 : i32 to index
    %swap3A_1011 = arith.constant 32 : index
    %swap3A_1012 = tpu.vector_load %arg7[%swap3A_1010, %swap3A_1011] {strides = array<i32>} : memref<8x128xi32, #tpu.memory_space<vmem>>, vector<1x16xi32>,
    %swap3A_1013 = vector.shape_cast %swap3A_1012 : vector<1x16xi32> to vector<16xi32>
    %swap3A_1014 = vector.shape_cast %add3A_1008 : vector<16xi32> to vector<1x16xi32>
    tpu.vector_store %arg7[%swap3A_1010, %swap3A_1011], %swap3A_1014 {strides = array<i32>} : memref<8x128xi32, #tpu.memory_space<vmem>>, vector<1x16xi32>,
    %get3A_1015 = arith.constant 944 : index
    %get3A_1016 = tpu.vector_load %arg6[%get3A_1015] {strides = array<i32>} : memref<1024xi32, #tpu.memory_space<vmem>>, vector<16xi32>,
    %get3A_1017 = vector.shape_cast %get3A_1016 : vector<16xi32> to vector<16xi32>
    %mul3A_1018 = arith.constant 16384 : i32
    %mul3A_1019 = vector.broadcast %mul3A_1018 : i32 to vector<16xi32>
    %mul3A_1020 = arith.muli %get3A_1017, %mul3A_1019 : vector<16xi32>
    %add3A_1021 = arith.constant 944 : i32
    %add3A_1022 = arith.addi %mul3A_13, %add3A_1021 : i32
    %add3A_1023 = vector.broadcast %add3A_1022 : i32 to vector<16xi32>
    %add3A_1024 = arith.addi %add3A_1023, %iota3A : vector<16xi32>
    %add3A_1025 = arith.addi %mul3A_1020, %add3A_1024 : vector<16xi32>
    %swap3A_1026 = arith.constant 7 : i32
    %swap3A_1027 = arith.index_cast %swap3A_1026 : i32 to index
    %swap3A_1028 = arith.constant 48 : index
    %swap3A_1029 = tpu.vector_load %arg7[%swap3A_1027, %swap3A_1028] {strides = array<i32>} : memref<8x128xi32, #tpu.memory_space<vmem>>, vector<1x16xi32>,
    %swap3A_1030 = vector.shape_cast %swap3A_1029 : vector<1x16xi32> to vector<16xi32>
    %swap3A_1031 = vector.shape_cast %add3A_1025 : vector<16xi32> to vector<1x16xi32>
    tpu.vector_store %arg7[%swap3A_1027, %swap3A_1028], %swap3A_1031 {strides = array<i32>} : memref<8x128xi32, #tpu.memory_space<vmem>>, vector<1x16xi32>,
    %get3A_1032 = arith.constant 960 : index
    %get3A_1033 = tpu.vector_load %arg6[%get3A_1032] {strides = array<i32>} : memref<1024xi32, #tpu.memory_space<vmem>>, vector<16xi32>,
    %get3A_1034 = vector.shape_cast %get3A_1033 : vector<16xi32> to vector<16xi32>
    %mul3A_1035 = arith.constant 16384 : i32
    %mul3A_1036 = vector.broadcast %mul3A_1035 : i32 to vector<16xi32>
    %mul3A_1037 = arith.muli %get3A_1034, %mul3A_1036 : vector<16xi32>
    %add3A_1038 = arith.constant 960 : i32
    %add3A_1039 = arith.addi %mul3A_13, %add3A_1038 : i32
    %add3A_1040 = vector.broadcast %add3A_1039 : i32 to vector<16xi32>
    %add3A_1041 = arith.addi %add3A_1040, %iota3A : vector<16xi32>
    %add3A_1042 = arith.addi %mul3A_1037, %add3A_1041 : vector<16xi32>
    %swap3A_1043 = arith.constant 7 : i32
    %swap3A_1044 = arith.index_cast %swap3A_1043 : i32 to index
    %swap3A_1045 = arith.constant 64 : index
    %swap3A_1046 = tpu.vector_load %arg7[%swap3A_1044, %swap3A_1045] {strides = array<i32>} : memref<8x128xi32, #tpu.memory_space<vmem>>, vector<1x16xi32>,
    %swap3A_1047 = vector.shape_cast %swap3A_1046 : vector<1x16xi32> to vector<16xi32>
    %swap3A_1048 = vector.shape_cast %add3A_1042 : vector<16xi32> to vector<1x16xi32>
    tpu.vector_store %arg7[%swap3A_1044, %swap3A_1045], %swap3A_1048 {strides = array<i32>} : memref<8x128xi32, #tpu.memory_space<vmem>>, vector<1x16xi32>,
    %get3A_1049 = arith.constant 976 : index
    %get3A_1050 = tpu.vector_load %arg6[%get3A_1049] {strides = array<i32>} : memref<1024xi32, #tpu.memory_space<vmem>>, vector<16xi32>,
    %get3A_1051 = vector.shape_cast %get3A_1050 : vector<16xi32> to vector<16xi32>
    %mul3A_1052 = arith.constant 16384 : i32
    %mul3A_1053 = vector.broadcast %mul3A_1052 : i32 to vector<16xi32>
    %mul3A_1054 = arith.muli %get3A_1051, %mul3A_1053 : vector<16xi32>
    %add3A_1055 = arith.constant 976 : i32
    %add3A_1056 = arith.addi %mul3A_13, %add3A_1055 : i32
    %add3A_1057 = vector.broadcast %add3A_1056 : i32 to vector<16xi32>
    %add3A_1058 = arith.addi %add3A_1057, %iota3A : vector<16xi32>
    %add3A_1059 = arith.addi %mul3A_1054, %add3A_1058 : vector<16xi32>
    %swap3A_1060 = arith.constant 7 : i32
    %swap3A_1061 = arith.index_cast %swap3A_1060 : i32 to index
    %swap3A_1062 = arith.constant 80 : index
    %swap3A_1063 = tpu.vector_load %arg7[%swap3A_1061, %swap3A_1062] {strides = array<i32>} : memref<8x128xi32, #tpu.memory_space<vmem>>, vector<1x16xi32>,
    %swap3A_1064 = vector.shape_cast %swap3A_1063 : vector<1x16xi32> to vector<16xi32>
    %swap3A_1065 = vector.shape_cast %add3A_1059 : vector<16xi32> to vector<1x16xi32>
    tpu.vector_store %arg7[%swap3A_1061, %swap3A_1062], %swap3A_1065 {strides = array<i32>} : memref<8x128xi32, #tpu.memory_space<vmem>>, vector<1x16xi32>,
    %get3A_1066 = arith.constant 992 : index
    %get3A_1067 = tpu.vector_load %arg6[%get3A_1066] {strides = array<i32>} : memref<1024xi32, #tpu.memory_space<vmem>>, vector<16xi32>,
    %get3A_1068 = vector.shape_cast %get3A_1067 : vector<16xi32> to vector<16xi32>
    %mul3A_1069 = arith.constant 16384 : i32
    %mul3A_1070 = vector.broadcast %mul3A_1069 : i32 to vector<16xi32>
    %mul3A_1071 = arith.muli %get3A_1068, %mul3A_1070 : vector<16xi32>
    %add3A_1072 = arith.constant 992 : i32
    %add3A_1073 = arith.addi %mul3A_13, %add3A_1072 : i32
    %add3A_1074 = vector.broadcast %add3A_1073 : i32 to vector<16xi32>
    %add3A_1075 = arith.addi %add3A_1074, %iota3A : vector<16xi32>
    %add3A_1076 = arith.addi %mul3A_1071, %add3A_1075 : vector<16xi32>
    %swap3A_1077 = arith.constant 7 : i32
    %swap3A_1078 = arith.index_cast %swap3A_1077 : i32 to index
    %swap3A_1079 = arith.constant 96 : index
    %swap3A_1080 = tpu.vector_load %arg7[%swap3A_1078, %swap3A_1079] {strides = array<i32>} : memref<8x128xi32, #tpu.memory_space<vmem>>, vector<1x16xi32>,
    %swap3A_1081 = vector.shape_cast %swap3A_1080 : vector<1x16xi32> to vector<16xi32>
    %swap3A_1082 = vector.shape_cast %add3A_1076 : vector<16xi32> to vector<1x16xi32>
    tpu.vector_store %arg7[%swap3A_1078, %swap3A_1079], %swap3A_1082 {strides = array<i32>} : memref<8x128xi32, #tpu.memory_space<vmem>>, vector<1x16xi32>,
    %get3A_1083 = arith.constant 1008 : index
    %get3A_1084 = tpu.vector_load %arg6[%get3A_1083] {strides = array<i32>} : memref<1024xi32, #tpu.memory_space<vmem>>, vector<16xi32>,
    %get3A_1085 = vector.shape_cast %get3A_1084 : vector<16xi32> to vector<16xi32>
    %mul3A_1086 = arith.constant 16384 : i32
    %mul3A_1087 = vector.broadcast %mul3A_1086 : i32 to vector<16xi32>
    %mul3A_1088 = arith.muli %get3A_1085, %mul3A_1087 : vector<16xi32>
    %add3A_1089 = arith.constant 1008 : i32
    %add3A_1090 = arith.addi %mul3A_13, %add3A_1089 : i32
    %add3A_1091 = vector.broadcast %add3A_1090 : i32 to vector<16xi32>
    %add3A_1092 = arith.addi %add3A_1091, %iota3A : vector<16xi32>
    %add3A_1093 = arith.addi %mul3A_1088, %add3A_1092 : vector<16xi32>
    %swap3A_1094 = arith.constant 7 : i32
    %swap3A_1095 = arith.index_cast %swap3A_1094 : i32 to index
    %swap3A_1096 = arith.constant 112 : index
    %swap3A_1097 = tpu.vector_load %arg7[%swap3A_1095, %swap3A_1096] {strides = array<i32>} : memref<8x128xi32, #tpu.memory_space<vmem>>, vector<1x16xi32>,
    %swap3A_1098 = vector.shape_cast %swap3A_1097 : vector<1x16xi32> to vector<16xi32>
    %swap3A_1099 = vector.shape_cast %add3A_1093 : vector<16xi32> to vector<1x16xi32>
    tpu.vector_store %arg7[%swap3A_1095, %swap3A_1096], %swap3A_1099 {strides = array<i32>} : memref<8x128xi32, #tpu.memory_space<vmem>>, vector<1x16xi32>,
    %broadcast_in_dim3A = arith.constant 1.000000e+00 : f32
    %broadcast_in_dim3A_1100 = vector.broadcast %broadcast_in_dim3A : f32 to vector<16xf32>
    %swap3A_1101 = arith.constant 0 : index
    %swap3A_1102 = tpu.vector_load %arg8[%swap3A_1101] {strides = array<i32>} : memref<128xf32, #tpu.memory_space<vmem>>, vector<16xf32>,
    %swap3A_1103 = vector.shape_cast %swap3A_1102 : vector<16xf32> to vector<16xf32>
    %swap3A_1104 = vector.shape_cast %broadcast_in_dim3A_1100 : vector<16xf32> to vector<16xf32>
    tpu.vector_store %arg8[%swap3A_1101], %swap3A_1104 {strides = array<i32>} : memref<128xf32, #tpu.memory_space<vmem>>, vector<16xf32>,
    %broadcast_in_dim3A_1105 = arith.constant 1.000000e+00 : f32
    %broadcast_in_dim3A_1106 = vector.broadcast %broadcast_in_dim3A_1105 : f32 to vector<16xf32>
    %swap3A_1107 = arith.constant 16 : index
    %swap3A_1108 = tpu.vector_load %arg8[%swap3A_1107] {strides = array<i32>} : memref<128xf32, #tpu.memory_space<vmem>>, vector<16xf32>,
    %swap3A_1109 = vector.shape_cast %swap3A_1108 : vector<16xf32> to vector<16xf32>
    %swap3A_1110 = vector.shape_cast %broadcast_in_dim3A_1106 : vector<16xf32> to vector<16xf32>
    tpu.vector_store %arg8[%swap3A_1107], %swap3A_1110 {strides = array<i32>} : memref<128xf32, #tpu.memory_space<vmem>>, vector<16xf32>,
    %broadcast_in_dim3A_1111 = arith.constant 1.000000e+00 : f32
    %broadcast_in_dim3A_1112 = vector.broadcast %broadcast_in_dim3A_1111 : f32 to vector<16xf32>
    %swap3A_1113 = arith.constant 32 : index
    %swap3A_1114 = tpu.vector_load %arg8[%swap3A_1113] {strides = array<i32>} : memref<128xf32, #tpu.memory_space<vmem>>, vector<16xf32>,
    %swap3A_1115 = vector.shape_cast %swap3A_1114 : vector<16xf32> to vector<16xf32>
    %swap3A_1116 = vector.shape_cast %broadcast_in_dim3A_1112 : vector<16xf32> to vector<16xf32>
    tpu.vector_store %arg8[%swap3A_1113], %swap3A_1116 {strides = array<i32>} : memref<128xf32, #tpu.memory_space<vmem>>, vector<16xf32>,
    %broadcast_in_dim3A_1117 = arith.constant 1.000000e+00 : f32
    %broadcast_in_dim3A_1118 = vector.broadcast %broadcast_in_dim3A_1117 : f32 to vector<16xf32>
    %swap3A_1119 = arith.constant 48 : index
    %swap3A_1120 = tpu.vector_load %arg8[%swap3A_1119] {strides = array<i32>} : memref<128xf32, #tpu.memory_space<vmem>>, vector<16xf32>,
    %swap3A_1121 = vector.shape_cast %swap3A_1120 : vector<16xf32> to vector<16xf32>
    %swap3A_1122 = vector.shape_cast %broadcast_in_dim3A_1118 : vector<16xf32> to vector<16xf32>
    tpu.vector_store %arg8[%swap3A_1119], %swap3A_1122 {strides = array<i32>} : memref<128xf32, #tpu.memory_space<vmem>>, vector<16xf32>,
    %broadcast_in_dim3A_1123 = arith.constant 1.000000e+00 : f32
    %broadcast_in_dim3A_1124 = vector.broadcast %broadcast_in_dim3A_1123 : f32 to vector<16xf32>
    %swap3A_1125 = arith.constant 64 : index
    %swap3A_1126 = tpu.vector_load %arg8[%swap3A_1125] {strides = array<i32>} : memref<128xf32, #tpu.memory_space<vmem>>, vector<16xf32>,
    %swap3A_1127 = vector.shape_cast %swap3A_1126 : vector<16xf32> to vector<16xf32>
    %swap3A_1128 = vector.shape_cast %broadcast_in_dim3A_1124 : vector<16xf32> to vector<16xf32>
    tpu.vector_store %arg8[%swap3A_1125], %swap3A_1128 {strides = array<i32>} : memref<128xf32, #tpu.memory_space<vmem>>, vector<16xf32>,
    %broadcast_in_dim3A_1129 = arith.constant 1.000000e+00 : f32
    %broadcast_in_dim3A_1130 = vector.broadcast %broadcast_in_dim3A_1129 : f32 to vector<16xf32>
    %swap3A_1131 = arith.constant 80 : index
    %swap3A_1132 = tpu.vector_load %arg8[%swap3A_1131] {strides = array<i32>} : memref<128xf32, #tpu.memory_space<vmem>>, vector<16xf32>,
    %swap3A_1133 = vector.shape_cast %swap3A_1132 : vector<16xf32> to vector<16xf32>
    %swap3A_1134 = vector.shape_cast %broadcast_in_dim3A_1130 : vector<16xf32> to vector<16xf32>
    tpu.vector_store %arg8[%swap3A_1131], %swap3A_1134 {strides = array<i32>} : memref<128xf32, #tpu.memory_space<vmem>>, vector<16xf32>,
    %broadcast_in_dim3A_1135 = arith.constant 1.000000e+00 : f32
    %broadcast_in_dim3A_1136 = vector.broadcast %broadcast_in_dim3A_1135 : f32 to vector<16xf32>
    %swap3A_1137 = arith.constant 96 : index
    %swap3A_1138 = tpu.vector_load %arg8[%swap3A_1137] {strides = array<i32>} : memref<128xf32, #tpu.memory_space<vmem>>, vector<16xf32>,
    %swap3A_1139 = vector.shape_cast %swap3A_1138 : vector<16xf32> to vector<16xf32>
    %swap3A_1140 = vector.shape_cast %broadcast_in_dim3A_1136 : vector<16xf32> to vector<16xf32>
    tpu.vector_store %arg8[%swap3A_1137], %swap3A_1140 {strides = array<i32>} : memref<128xf32, #tpu.memory_space<vmem>>, vector<16xf32>,
    %broadcast_in_dim3A_1141 = arith.constant 1.000000e+00 : f32
    %broadcast_in_dim3A_1142 = vector.broadcast %broadcast_in_dim3A_1141 : f32 to vector<16xf32>
    %swap3A_1143 = arith.constant 112 : index
    %swap3A_1144 = tpu.vector_load %arg8[%swap3A_1143] {strides = array<i32>} : memref<128xf32, #tpu.memory_space<vmem>>, vector<16xf32>,
    %swap3A_1145 = vector.shape_cast %swap3A_1144 : vector<16xf32> to vector<16xf32>
    %swap3A_1146 = vector.shape_cast %broadcast_in_dim3A_1142 : vector<16xf32> to vector<16xf32>
    tpu.vector_store %arg8[%swap3A_1143], %swap3A_1146 {strides = array<i32>} : memref<128xf32, #tpu.memory_space<vmem>>, vector<16xf32>,
    %barrier3A = arith.constant 0 : index
    tpu.barrier barrier_id(%barrier3A)
    %dma_start3A = tpu.memref_slice %arg3[%mul3A_2] : memref<3276800xf32, #tpu.memory_space<hbm>> -> memref<102400xf32, #tpu.memory_space<hbm>>
    tpu.enqueue_dma source(%arg5 : memref<102400xf32, #tpu.memory_space<vmem_shared>>) target(%dma_start3A : memref<102400xf32, #tpu.memory_space<hbm>>) target_semaphore(%arg9 : memref<!tpu.dma_semaphore, #tpu.memory_space<semaphore_mem>>)
    %dma_wait3A = tpu.memref_slice %arg3[%mul3A_2] : memref<3276800xf32, #tpu.memory_space<hbm>> -> memref<102400xf32, #tpu.memory_space<hbm>>
    tpu.wait_dma2 semaphore(%arg9 : memref<!tpu.dma_semaphore, #tpu.memory_space<semaphore_mem>>) src(%arg5 : memref<102400xf32, #tpu.memory_space<vmem_shared>>) dst(%dma_wait3A : memref<102400xf32, #tpu.memory_space<hbm>>)
    %barrier3A_1147 = arith.constant 0 : index
    tpu.barrier barrier_id(%barrier3A_1147)
    %dma_start3A_1148 = arith.constant 0 : i32
    %dma_start3A_1149 = arith.constant 0 : i32
    %dma_start3A_1150 = tpu.memref_slice %arg7[%dma_start3A_1148, %dma_start3A_1149] : memref<8x128xi32, #tpu.memory_space<vmem>> -> memref<1x128xi32, #tpu.memory_space<vmem>>
    %dma_start3A_1151 = tpu.memref_squeeze %dma_start3A_1150 : memref<1x128xi32, #tpu.memory_space<vmem>> -> memref<128xi32, #tpu.memory_space<vmem>>
    %dma_start3A_1152 = arith.constant 0 : i32
    %dma_start3A_1153 = tpu.memref_slice %arg3[%dma_start3A_1152] : memref<3276800xf32, #tpu.memory_space<hbm>> -> memref<3276800xf32, #tpu.memory_space<hbm>>
    tpu.enqueue_indirect_dma source(%arg8 : memref<128xf32, #tpu.memory_space<vmem>>) target(%dma_start3A_1153 : memref<3276800xf32, #tpu.memory_space<hbm>>) offsets(%dma_start3A_1151 : memref<128xi32, #tpu.memory_space<vmem>>) semaphore(%arg10 : memref<!tpu.dma_semaphore, #tpu.memory_space<semaphore_mem>>)
    %dma_start3A_1154 = arith.constant 1 : i32
    %dma_start3A_1155 = arith.constant 0 : i32
    %dma_start3A_1156 = tpu.memref_slice %arg7[%dma_start3A_1154, %dma_start3A_1155] : memref<8x128xi32, #tpu.memory_space<vmem>> -> memref<1x128xi32, #tpu.memory_space<vmem>>
    %dma_start3A_1157 = tpu.memref_squeeze %dma_start3A_1156 : memref<1x128xi32, #tpu.memory_space<vmem>> -> memref<128xi32, #tpu.memory_space<vmem>>
    %dma_start3A_1158 = arith.constant 0 : i32
    %dma_start3A_1159 = tpu.memref_slice %arg3[%dma_start3A_1158] : memref<3276800xf32, #tpu.memory_space<hbm>> -> memref<3276800xf32, #tpu.memory_space<hbm>>
    tpu.enqueue_indirect_dma source(%arg8 : memref<128xf32, #tpu.memory_space<vmem>>) target(%dma_start3A_1159 : memref<3276800xf32, #tpu.memory_space<hbm>>) offsets(%dma_start3A_1157 : memref<128xi32, #tpu.memory_space<vmem>>) semaphore(%arg10 : memref<!tpu.dma_semaphore, #tpu.memory_space<semaphore_mem>>)
    %dma_start3A_1160 = arith.constant 2 : i32
    %dma_start3A_1161 = arith.constant 0 : i32
    %dma_start3A_1162 = tpu.memref_slice %arg7[%dma_start3A_1160, %dma_start3A_1161] : memref<8x128xi32, #tpu.memory_space<vmem>> -> memref<1x128xi32, #tpu.memory_space<vmem>>
    %dma_start3A_1163 = tpu.memref_squeeze %dma_start3A_1162 : memref<1x128xi32, #tpu.memory_space<vmem>> -> memref<128xi32, #tpu.memory_space<vmem>>
    %dma_start3A_1164 = arith.constant 0 : i32
    %dma_start3A_1165 = tpu.memref_slice %arg3[%dma_start3A_1164] : memref<3276800xf32, #tpu.memory_space<hbm>> -> memref<3276800xf32, #tpu.memory_space<hbm>>
    tpu.enqueue_indirect_dma source(%arg8 : memref<128xf32, #tpu.memory_space<vmem>>) target(%dma_start3A_1165 : memref<3276800xf32, #tpu.memory_space<hbm>>) offsets(%dma_start3A_1163 : memref<128xi32, #tpu.memory_space<vmem>>) semaphore(%arg10 : memref<!tpu.dma_semaphore, #tpu.memory_space<semaphore_mem>>)
    %dma_start3A_1166 = arith.constant 3 : i32
    %dma_start3A_1167 = arith.constant 0 : i32
    %dma_start3A_1168 = tpu.memref_slice %arg7[%dma_start3A_1166, %dma_start3A_1167] : memref<8x128xi32, #tpu.memory_space<vmem>> -> memref<1x128xi32, #tpu.memory_space<vmem>>
    %dma_start3A_1169 = tpu.memref_squeeze %dma_start3A_1168 : memref<1x128xi32, #tpu.memory_space<vmem>> -> memref<128xi32, #tpu.memory_space<vmem>>
    %dma_start3A_1170 = arith.constant 0 : i32
    %dma_start3A_1171 = tpu.memref_slice %arg3[%dma_start3A_1170] : memref<3276800xf32, #tpu.memory_space<hbm>> -> memref<3276800xf32, #tpu.memory_space<hbm>>
    tpu.enqueue_indirect_dma source(%arg8 : memref<128xf32, #tpu.memory_space<vmem>>) target(%dma_start3A_1171 : memref<3276800xf32, #tpu.memory_space<hbm>>) offsets(%dma_start3A_1169 : memref<128xi32, #tpu.memory_space<vmem>>) semaphore(%arg10 : memref<!tpu.dma_semaphore, #tpu.memory_space<semaphore_mem>>)
    %dma_start3A_1172 = arith.constant 4 : i32
    %dma_start3A_1173 = arith.constant 0 : i32
    %dma_start3A_1174 = tpu.memref_slice %arg7[%dma_start3A_1172, %dma_start3A_1173] : memref<8x128xi32, #tpu.memory_space<vmem>> -> memref<1x128xi32, #tpu.memory_space<vmem>>
    %dma_start3A_1175 = tpu.memref_squeeze %dma_start3A_1174 : memref<1x128xi32, #tpu.memory_space<vmem>> -> memref<128xi32, #tpu.memory_space<vmem>>
    %dma_start3A_1176 = arith.constant 0 : i32
    %dma_start3A_1177 = tpu.memref_slice %arg3[%dma_start3A_1176] : memref<3276800xf32, #tpu.memory_space<hbm>> -> memref<3276800xf32, #tpu.memory_space<hbm>>
    tpu.enqueue_indirect_dma source(%arg8 : memref<128xf32, #tpu.memory_space<vmem>>) target(%dma_start3A_1177 : memref<3276800xf32, #tpu.memory_space<hbm>>) offsets(%dma_start3A_1175 : memref<128xi32, #tpu.memory_space<vmem>>) semaphore(%arg10 : memref<!tpu.dma_semaphore, #tpu.memory_space<semaphore_mem>>)
    %dma_start3A_1178 = arith.constant 5 : i32
    %dma_start3A_1179 = arith.constant 0 : i32
    %dma_start3A_1180 = tpu.memref_slice %arg7[%dma_start3A_1178, %dma_start3A_1179] : memref<8x128xi32, #tpu.memory_space<vmem>> -> memref<1x128xi32, #tpu.memory_space<vmem>>
    %dma_start3A_1181 = tpu.memref_squeeze %dma_start3A_1180 : memref<1x128xi32, #tpu.memory_space<vmem>> -> memref<128xi32, #tpu.memory_space<vmem>>
    %dma_start3A_1182 = arith.constant 0 : i32
    %dma_start3A_1183 = tpu.memref_slice %arg3[%dma_start3A_1182] : memref<3276800xf32, #tpu.memory_space<hbm>> -> memref<3276800xf32, #tpu.memory_space<hbm>>
    tpu.enqueue_indirect_dma source(%arg8 : memref<128xf32, #tpu.memory_space<vmem>>) target(%dma_start3A_1183 : memref<3276800xf32, #tpu.memory_space<hbm>>) offsets(%dma_start3A_1181 : memref<128xi32, #tpu.memory_space<vmem>>) semaphore(%arg10 : memref<!tpu.dma_semaphore, #tpu.memory_space<semaphore_mem>>)
    %dma_start3A_1184 = arith.constant 6 : i32
    %dma_start3A_1185 = arith.constant 0 : i32
    %dma_start3A_1186 = tpu.memref_slice %arg7[%dma_start3A_1184, %dma_start3A_1185] : memref<8x128xi32, #tpu.memory_space<vmem>> -> memref<1x128xi32, #tpu.memory_space<vmem>>
    %dma_start3A_1187 = tpu.memref_squeeze %dma_start3A_1186 : memref<1x128xi32, #tpu.memory_space<vmem>> -> memref<128xi32, #tpu.memory_space<vmem>>
    %dma_start3A_1188 = arith.constant 0 : i32
    %dma_start3A_1189 = tpu.memref_slice %arg3[%dma_start3A_1188] : memref<3276800xf32, #tpu.memory_space<hbm>> -> memref<3276800xf32, #tpu.memory_space<hbm>>
    tpu.enqueue_indirect_dma source(%arg8 : memref<128xf32, #tpu.memory_space<vmem>>) target(%dma_start3A_1189 : memref<3276800xf32, #tpu.memory_space<hbm>>) offsets(%dma_start3A_1187 : memref<128xi32, #tpu.memory_space<vmem>>) semaphore(%arg10 : memref<!tpu.dma_semaphore, #tpu.memory_space<semaphore_mem>>)
    %dma_start3A_1190 = arith.constant 7 : i32
    %dma_start3A_1191 = arith.constant 0 : i32
    %dma_start3A_1192 = tpu.memref_slice %arg7[%dma_start3A_1190, %dma_start3A_1191] : memref<8x128xi32, #tpu.memory_space<vmem>> -> memref<1x128xi32, #tpu.memory_space<vmem>>
    %dma_start3A_1193 = tpu.memref_squeeze %dma_start3A_1192 : memref<1x128xi32, #tpu.memory_space<vmem>> -> memref<128xi32, #tpu.memory_space<vmem>>
    %dma_start3A_1194 = arith.constant 0 : i32
    %dma_start3A_1195 = tpu.memref_slice %arg3[%dma_start3A_1194] : memref<3276800xf32, #tpu.memory_space<hbm>> -> memref<3276800xf32, #tpu.memory_space<hbm>>
    tpu.enqueue_indirect_dma source(%arg8 : memref<128xf32, #tpu.memory_space<vmem>>) target(%dma_start3A_1195 : memref<3276800xf32, #tpu.memory_space<hbm>>) offsets(%dma_start3A_1193 : memref<128xi32, #tpu.memory_space<vmem>>) semaphore(%arg10 : memref<!tpu.dma_semaphore, #tpu.memory_space<semaphore_mem>>)
    %dma_wait3A_1196 = arith.constant 0 : i32
    %dma_wait3A_1197 = arith.constant 0 : i32
    %dma_wait3A_1198 = tpu.memref_slice %arg7[%dma_wait3A_1196, %dma_wait3A_1197] : memref<8x128xi32, #tpu.memory_space<vmem>> -> memref<1x128xi32, #tpu.memory_space<vmem>>
    %dma_wait3A_1199 = tpu.memref_squeeze %dma_wait3A_1198 : memref<1x128xi32, #tpu.memory_space<vmem>> -> memref<128xi32, #tpu.memory_space<vmem>>
    %dma_wait3A_1200 = arith.constant 0 : i32
    %dma_wait3A_1201 = tpu.memref_slice %arg3[%dma_wait3A_1200] : memref<3276800xf32, #tpu.memory_space<hbm>> -> memref<3276800xf32, #tpu.memory_space<hbm>>
    tpu.wait_indirect_dma semaphore(%arg10 : memref<!tpu.dma_semaphore, #tpu.memory_space<semaphore_mem>>) src(%arg8 : memref<128xf32, #tpu.memory_space<vmem>>) dst(%dma_wait3A_1201 : memref<3276800xf32, #tpu.memory_space<hbm>>)
    %dma_wait3A_1202 = arith.constant 1 : i32
    %dma_wait3A_1203 = arith.constant 0 : i32
    %dma_wait3A_1204 = tpu.memref_slice %arg7[%dma_wait3A_1202, %dma_wait3A_1203] : memref<8x128xi32, #tpu.memory_space<vmem>> -> memref<1x128xi32, #tpu.memory_space<vmem>>
    %dma_wait3A_1205 = tpu.memref_squeeze %dma_wait3A_1204 : memref<1x128xi32, #tpu.memory_space<vmem>> -> memref<128xi32, #tpu.memory_space<vmem>>
    %dma_wait3A_1206 = arith.constant 0 : i32
    %dma_wait3A_1207 = tpu.memref_slice %arg3[%dma_wait3A_1206] : memref<3276800xf32, #tpu.memory_space<hbm>> -> memref<3276800xf32, #tpu.memory_space<hbm>>
    tpu.wait_indirect_dma semaphore(%arg10 : memref<!tpu.dma_semaphore, #tpu.memory_space<semaphore_mem>>) src(%arg8 : memref<128xf32, #tpu.memory_space<vmem>>) dst(%dma_wait3A_1207 : memref<3276800xf32, #tpu.memory_space<hbm>>)
    %dma_wait3A_1208 = arith.constant 2 : i32
    %dma_wait3A_1209 = arith.constant 0 : i32
    %dma_wait3A_1210 = tpu.memref_slice %arg7[%dma_wait3A_1208, %dma_wait3A_1209] : memref<8x128xi32, #tpu.memory_space<vmem>> -> memref<1x128xi32, #tpu.memory_space<vmem>>
    %dma_wait3A_1211 = tpu.memref_squeeze %dma_wait3A_1210 : memref<1x128xi32, #tpu.memory_space<vmem>> -> memref<128xi32, #tpu.memory_space<vmem>>
    %dma_wait3A_1212 = arith.constant 0 : i32
    %dma_wait3A_1213 = tpu.memref_slice %arg3[%dma_wait3A_1212] : memref<3276800xf32, #tpu.memory_space<hbm>> -> memref<3276800xf32, #tpu.memory_space<hbm>>
    tpu.wait_indirect_dma semaphore(%arg10 : memref<!tpu.dma_semaphore, #tpu.memory_space<semaphore_mem>>) src(%arg8 : memref<128xf32, #tpu.memory_space<vmem>>) dst(%dma_wait3A_1213 : memref<3276800xf32, #tpu.memory_space<hbm>>)
    %dma_wait3A_1214 = arith.constant 3 : i32
    %dma_wait3A_1215 = arith.constant 0 : i32
    %dma_wait3A_1216 = tpu.memref_slice %arg7[%dma_wait3A_1214, %dma_wait3A_1215] : memref<8x128xi32, #tpu.memory_space<vmem>> -> memref<1x128xi32, #tpu.memory_space<vmem>>
    %dma_wait3A_1217 = tpu.memref_squeeze %dma_wait3A_1216 : memref<1x128xi32, #tpu.memory_space<vmem>> -> memref<128xi32, #tpu.memory_space<vmem>>
    %dma_wait3A_1218 = arith.constant 0 : i32
    %dma_wait3A_1219 = tpu.memref_slice %arg3[%dma_wait3A_1218] : memref<3276800xf32, #tpu.memory_space<hbm>> -> memref<3276800xf32, #tpu.memory_space<hbm>>
    tpu.wait_indirect_dma semaphore(%arg10 : memref<!tpu.dma_semaphore, #tpu.memory_space<semaphore_mem>>) src(%arg8 : memref<128xf32, #tpu.memory_space<vmem>>) dst(%dma_wait3A_1219 : memref<3276800xf32, #tpu.memory_space<hbm>>)
    %dma_wait3A_1220 = arith.constant 4 : i32
    %dma_wait3A_1221 = arith.constant 0 : i32
    %dma_wait3A_1222 = tpu.memref_slice %arg7[%dma_wait3A_1220, %dma_wait3A_1221] : memref<8x128xi32, #tpu.memory_space<vmem>> -> memref<1x128xi32, #tpu.memory_space<vmem>>
    %dma_wait3A_1223 = tpu.memref_squeeze %dma_wait3A_1222 : memref<1x128xi32, #tpu.memory_space<vmem>> -> memref<128xi32, #tpu.memory_space<vmem>>
    %dma_wait3A_1224 = arith.constant 0 : i32
    %dma_wait3A_1225 = tpu.memref_slice %arg3[%dma_wait3A_1224] : memref<3276800xf32, #tpu.memory_space<hbm>> -> memref<3276800xf32, #tpu.memory_space<hbm>>
    tpu.wait_indirect_dma semaphore(%arg10 : memref<!tpu.dma_semaphore, #tpu.memory_space<semaphore_mem>>) src(%arg8 : memref<128xf32, #tpu.memory_space<vmem>>) dst(%dma_wait3A_1225 : memref<3276800xf32, #tpu.memory_space<hbm>>)
    %dma_wait3A_1226 = arith.constant 5 : i32
    %dma_wait3A_1227 = arith.constant 0 : i32
    %dma_wait3A_1228 = tpu.memref_slice %arg7[%dma_wait3A_1226, %dma_wait3A_1227] : memref<8x128xi32, #tpu.memory_space<vmem>> -> memref<1x128xi32, #tpu.memory_space<vmem>>
    %dma_wait3A_1229 = tpu.memref_squeeze %dma_wait3A_1228 : memref<1x128xi32, #tpu.memory_space<vmem>> -> memref<128xi32, #tpu.memory_space<vmem>>
    %dma_wait3A_1230 = arith.constant 0 : i32
    %dma_wait3A_1231 = tpu.memref_slice %arg3[%dma_wait3A_1230] : memref<3276800xf32, #tpu.memory_space<hbm>> -> memref<3276800xf32, #tpu.memory_space<hbm>>
    tpu.wait_indirect_dma semaphore(%arg10 : memref<!tpu.dma_semaphore, #tpu.memory_space<semaphore_mem>>) src(%arg8 : memref<128xf32, #tpu.memory_space<vmem>>) dst(%dma_wait3A_1231 : memref<3276800xf32, #tpu.memory_space<hbm>>)
    %dma_wait3A_1232 = arith.constant 6 : i32
    %dma_wait3A_1233 = arith.constant 0 : i32
    %dma_wait3A_1234 = tpu.memref_slice %arg7[%dma_wait3A_1232, %dma_wait3A_1233] : memref<8x128xi32, #tpu.memory_space<vmem>> -> memref<1x128xi32, #tpu.memory_space<vmem>>
    %dma_wait3A_1235 = tpu.memref_squeeze %dma_wait3A_1234 : memref<1x128xi32, #tpu.memory_space<vmem>> -> memref<128xi32, #tpu.memory_space<vmem>>
    %dma_wait3A_1236 = arith.constant 0 : i32
    %dma_wait3A_1237 = tpu.memref_slice %arg3[%dma_wait3A_1236] : memref<3276800xf32, #tpu.memory_space<hbm>> -> memref<3276800xf32, #tpu.memory_space<hbm>>
    tpu.wait_indirect_dma semaphore(%arg10 : memref<!tpu.dma_semaphore, #tpu.memory_space<semaphore_mem>>) src(%arg8 : memref<128xf32, #tpu.memory_space<vmem>>) dst(%dma_wait3A_1237 : memref<3276800xf32, #tpu.memory_space<hbm>>)
    %dma_wait3A_1238 = arith.constant 7 : i32
    %dma_wait3A_1239 = arith.constant 0 : i32
    %dma_wait3A_1240 = tpu.memref_slice %arg7[%dma_wait3A_1238, %dma_wait3A_1239] : memref<8x128xi32, #tpu.memory_space<vmem>> -> memref<1x128xi32, #tpu.memory_space<vmem>>
    %dma_wait3A_1241 = tpu.memref_squeeze %dma_wait3A_1240 : memref<1x128xi32, #tpu.memory_space<vmem>> -> memref<128xi32, #tpu.memory_space<vmem>>
    %dma_wait3A_1242 = arith.constant 0 : i32
    %dma_wait3A_1243 = tpu.memref_slice %arg3[%dma_wait3A_1242] : memref<3276800xf32, #tpu.memory_space<hbm>> -> memref<3276800xf32, #tpu.memory_space<hbm>>
    tpu.wait_indirect_dma semaphore(%arg10 : memref<!tpu.dma_semaphore, #tpu.memory_space<semaphore_mem>>) src(%arg8 : memref<128xf32, #tpu.memory_space<vmem>>) dst(%dma_wait3A_1243 : memref<3276800xf32, #tpu.memory_space<hbm>>)
    return
  }
}

</mosaic_0001>

<sc_bundles>
// kernel: kernel.3.cloned.1.call-start
scs
__scs_entry_jumppad:
0x0: {  	(pc) =	sbr.rel $0x88, $3  }
0x1: {  	(tag) =	ssettag $0x0;
	lr =	simm.s32 $0x1  }
0x2: {  	[smem:$0x3FA0] =	sst lr;
	_ =	strace $0xD0000000  }
0x3: {  	_ = 	snop  }
0x4: {  	_ = 	snop  }
0x5: {  	_ = 	snop  }
0x6: {  	_ = 	snop  }
0x7: {  	_ = 	snop  }
__scs_overlays_trampoline_lowered:
0x8: {  	[smem:$0x3FAF] =	sst s0  }
0x9: {  	[smem:$0x3FB0] =	sst s1  }
0xa: {  	[smem:$0x3FB1] =	sst s2  }
0xb: {  	[smem:$0x3FB2] =	sst s3  }
0xc: {  	[smem:$0x3FB3] =	sst s4  }
0xd: {  	[smem:$0x3FB4] =	sst s5  }
0xe: {  	[smem:$0x3FB5] =	sst s6  }
0xf: {  	[smem:$0x3FB6] =	sst s7  }
0x10: {  	[smem:$0x3FB7] =	sst s8  }
0x11: {  	[smem:$0x3FB8] =	sst s9;
	s0 =	simm.s32 @!p0 $0x0  }
0x12: {  	s1 =	sld [smem:$0x3F9E];
	s0 =	simm.s32 @p0 $0x1  }
0x13: {  	[smem:$0x3FB9] =	sst s0;
	s0 =	simm.s32 @!p1 $0x0  }
0x14: {  	s2 =	sld [smem:$0x3F9D];
	s0 =	simm.s32 @p1 $0x1  }
0x15: {  	[smem:$0x3FBA] =	sst s0;
	s0 =	simm.s32 @!p2 $0x0  }
0x16: {  	s3 =	sld [smem:$0x3FDB];
	s0 =	simm.s32 @p2 $0x1  }
0x17: {  	s4 =	simm.s32 $0x1BF5;
	[smem:$0x3FBC] =	sst s0  }
0x18: {  	s0 =	sld [smem:$0x3F9F];
	_ =	swait.ge [sflag:s4], $0x0  }
0x19: {  	s7 =	sld [smem:$0x3FA0]  }
0x1a: {  	s8 =	sadd.s32 $0xFFFFE003, lr  }
0x1b: {  	s9 =	sadd.s32 $0xFFFFFEF7, lr;
	s5 =	simm.s32 $0xFFFFFFFF;
	p2 =	slt.u32 s8, $0xFFFFF086  }
0x1c: {  	p1 =	slt.u32 s9, $0xF7A;
	s5 =	simm.s32 @!p2 $0x0  }
0x1d: {  	s5 =	simm.s32 @p1 $0x1;
	p0 =	seq.s32 s7, s2  }
0x1e: {  	s7 =	smul.u32 @!p0 $0xF7A, s2;
	p2 =	seq.s32 @!p0 s5, $0x0  }
0x1f: {  	s9 =	smul.u32 $0xF7A, s1;
	s8 =	simm.s32 @!p0 $0x1BF5;
	p2 =	por !p2, p0  }
0x20: {  	[sflag:s8] =	ssyncset.s32 @!p0 $0xFFFFF086;
	s6 =	sadd.s32 @!p0 s3, s7;
	s7 =	simm.s32 @!p0 $0x108  }
0x21: {  	s3 =	sadd.s32 s3, s9;
	s6 =	sadd.s32 @!p0 $0x88, s6;
	s7 =	simm.s32 @p2 $0x1082  }
0x22: {  	[simem:s7], [sflag:s8] =	dma.local @!p0 [hbm:s6], $0xF7A  }
0x23: {  	s9 =	sor.u32 $0xD0000000, s2;
	s6 =	simm.s32 $0x108;
	_ =	swait.ge @!p0 [sflag:s8], $0x0  }
0x24: {  	s3 =	sadd.s32 $0x88, s3;
	s6 =	simm.s32 @!p1 $0x1082;
	[sflag:s4] =	ssyncset.s32 $0xFFFFF086  }
0x25: {  	[simem:s6], [sflag:s4] =	dma.local [hbm:s3], $0xF7A  }
0x26: {  	[smem:$0x3FA0] =	sst s1;
	(tag) =	ssettag s2;
	_ =	strace s9  }
0x27: {  	s1 =	sld [smem:$0x3FB0]  }
0x28: {  	s2 =	sld [smem:$0x3FB1]  }
0x29: {  	s4 =	sld [smem:$0x3FB3]  }
0x2a: {  	p0 =	seq.s32 s5, $0x0;
	s5 =	sld [smem:$0x3FB4]  }
0x2b: {  	s6 =	sld [smem:$0x3FB5]  }
0x2c: {  	s7 =	sld [smem:$0x3FB6]  }
0x2d: {  	s3 =	simm.s32 $0x108;
	s8 =	sld [smem:$0x3FB7]  }
0x2e: {  	s3 =	simm.s32 @!p0 $0x1082;
	s9 =	sld [smem:$0x3FB8]  }
0x2f: {  	lr =	sadd.s32 s0, s3;
	s0 =	sld [smem:$0x3FAF]  }
0x30: {  	s3 =	sld [smem:$0x3FB2]  }
0x31: {  	[smem:$0x3FBB] =	sst s10  }
0x32: {  	s10 =	sld [smem:$0x3FB9];
	_ =	sdelay $0x3  }
0x33: {  	p0 =	seq.s32 s10, $0x1;
	s10 =	sld [smem:$0x3FBB];
	_ =	sdelay $0x3  }
0x34: {  	[smem:$0x3FBB] =	sst s10  }
0x35: {  	s10 =	sld [smem:$0x3FBA];
	_ =	sdelay $0x3  }
0x36: {  	p1 =	seq.s32 s10, $0x1;
	s10 =	sld [smem:$0x3FBB];
	_ =	sdelay $0x3  }
0x37: {  	[smem:$0x3FBB] =	sst s10  }
0x38: {  	s10 =	sld [smem:$0x3FBC]  }
0x39: {  	_ = 	snop;
	(pc) =	sbr.ind lr, $3  }
0x3a: {  	_ = 	snop  }
0x3b: {  	_ = 	snop  }
0x3c: {  	p2 =	seq.s32 s10, $0x1;
	s10 =	sld [smem:$0x3FBB]  }
0x3d: {  	_ =	shalt  }
0x3e: {  	_ =	shalt  }
0x3f: {  	_ =	shalt  }
0x40: {  	_ =	shalt  }
0x41: {  	_ =	shalt  }
0x42: {  	_ =	shalt  }
0x43: {  	_ =	shalt  }
0x44: {  	_ =	shalt  }
0x45: {  	_ =	shalt  }
0x46: {  	_ =	shalt  }
0x47: {  	_ =	shalt  }
0x48: {  	_ =	shalt  }
0x49: {  	_ =	shalt  }
0x4a: {  	_ =	shalt  }
0x4b: {  	_ =	shalt  }
0x4c: {  	_ =	shalt  }
0x4d: {  	_ =	shalt  }
0x4e: {  	_ =	shalt  }
0x4f: {  	_ =	shalt  }
0x50: {  	_ =	shalt  }
0x51: {  	_ =	shalt  }
0x52: {  	_ =	shalt  }
0x53: {  	_ =	shalt  }
0x54: {  	_ =	shalt  }
0x55: {  	_ =	shalt  }
0x56: {  	_ =	shalt  }
0x57: {  	_ =	shalt  }
0x58: {  	_ =	shalt  }
0x59: {  	_ =	shalt  }
0x5a: {  	_ =	shalt  }
0x5b: {  	_ =	shalt  }
0x5c: {  	_ =	shalt  }
0x5d: {  	_ =	shalt  }
0x5e: {  	_ =	shalt  }
0x5f: {  	_ =	shalt  }
0x60: {  	_ =	shalt  }
0x61: {  	_ =	shalt  }
0x62: {  	_ =	shalt  }
0x63: {  	_ =	shalt  }
0x64: {  	_ =	shalt  }
0x65: {  	_ =	shalt  }
0x66: {  	_ =	shalt  }
0x67: {  	_ =	shalt  }
0x68: {  	_ =	shalt  }
0x69: {  	_ =	shalt  }
0x6a: {  	_ =	shalt  }
0x6b: {  	_ =	shalt  }
0x6c: {  	_ =	shalt  }
0x6d: {  	_ =	shalt  }
0x6e: {  	_ =	shalt  }
0x6f: {  	_ =	shalt  }
0x70: {  	_ =	shalt  }
0x71: {  	_ =	shalt  }
0x72: {  	_ =	shalt  }
0x73: {  	_ =	shalt  }
0x74: {  	_ =	shalt  }
0x75: {  	_ =	shalt  }
0x76: {  	_ =	shalt  }
0x77: {  	_ =	shalt  }
0x78: {  	_ =	shalt  }
0x79: {  	_ =	shalt  }
0x7a: {  	_ =	shalt  }
0x7b: {  	_ =	shalt  }
0x7c: {  	_ =	shalt  }
0x7d: {  	_ =	shalt  }
0x7e: {  	_ =	shalt  }
0x7f: {  	_ =	shalt  }
0x80: {  	_ =	shalt  }
0x81: {  	_ =	shalt  }
0x82: {  	_ =	shalt  }
0x83: {  	_ =	shalt  }
0x84: {  	_ =	shalt  }
0x85: {  	_ =	shalt  }
0x86: {  	_ =	shalt  }
0x87: {  	_ =	shalt  }
.Lfunc_end0:
.L_simem_size_0:
called_computation_lowered:
.L_overlay_start_0:
0x88: {  	s2 =	sld [smem:$0x3FD9]  }
0x89: {  	s3 =	sld [smem:$0x3FFE];
	_ =	sdelay $0x1  }
0x8a: {  	s1 =	srdreg.scid  }
0x8b: {  	s0 =	sand.u32 $0x1, s1  }
0x8c: {  	s17 =	sshll.u32 s0, $0xA;
	s2 =	sadd.s32 s3, s2  }
0x8d: {  	s2 =	sadd.s32 s2, s17  }
0x8e: {  	[smem:$0x3FC7] =	sst s2  }
0x8f: {  	_ = 	snop  }
0x90: {  	s2 =	sld [smem:$0x3FC9];
	(tm) =	ssettm $0x1  }
0x91: {  	s18 =	sld [smem:$0x3FFB];
	_ =	sdelay $0x3  }
0x92: {  	_ =	strace s18  }
0x93: {  	s3 =	sld [smem:$0x3FFC];
	_ =	sdelay $0x3  }
0x94: {  	_ =	strace s3  }
0x95: {  	s3 =	sld [smem:$0x3FFD];
	_ =	sdelay $0x3  }
0x96: {  	_ =	strace s3  }
0x97: {  	_ =	strace $0x8FFFFFFF  }
0x98: {  	s19 =	sld [smem:$0x3FDB];
	_ =	sdelay $0x1  }
0x99: {  	s4 =	simm.s32 $_scs_section_size  }
0x9a: {  	s5 =	simm.s32 $_size__tile_overlayer_lowered;
	s6 =	simm.s32 $_tile_overlayer_lowered  }
0x9b: {  	s22 =	simm.s32 $0x1BFF;
	s21 =	sshll.u32 s6, $0x1;
	s3 =	sadd.s32 s4, s19  }
0x9c: {  	s7 =	simm.s32 $0x0;
	s20 =	sshll.u32 s5, $0x1;
	s5 =	sadd.s32 s21, s3  }
0x9d: {  	[timem:s7], [sflag:s22] =	dma.local [hbm:s5], s20  }
0x9e: {  	_ =	swait.ge [sflag:s22], s20  }
0x9f: {  	s4 =	ssub.s32 $0x0, s20;
	[sflag:s22] =	ssyncset.done $0x0  }
0xa0: {  	[sflag:s22] =	ssyncadd.s32 s4;
	_ =	sdelay $0x1  }
0xa1: {  	s23 =	simm.s32 $0x1B8B  }
0xa2: {  	_ =	swait.ge [sflag:s23], $0x1  }
0xa3: {  	[sflag:s23] =	ssyncset.done $0x0  }
0xa4: {  	s25 =	simm.s32 $0x1B8E;
	s24 =	sld [smem:$0x3FFE];
	[sflag:s23] =	ssyncadd.s32 $0xFFFFFFFF  }
0xa5: {  	s26 =	simm.s32 $execute0_lowered;
	[smem:$0x3FD2] =	sst s25  }
0xa6: {  	s5 =	sshll.u32 s26, $0x1;
	_ =	strace $0x80000046;
	[dreg:$0x1] =	wrdreg $0xFFFFFFFF  }
0xa7: {  	s28 =	simm.s32 $_size_execute0_lowered;
	s3 =	sadd.s32 s3, s5;
	[dreg:$0x0] =	wrdreg $0x0  }
0xa8: {  	s5 =	sshll.u32 s28, $0x1;
	[dreg:$0x2] =	wrdreg s3  }
0xa9: {  	[dreg:$0x3] =	wrdreg s5  }
0xaa: {  	[dreg:$0x4] =	wrdreg $0xC0  }
0xab: {  	_ =	task [dreg:s7], $0x5FFFF  }
0xac: {  	[dreg:$0x1] =	wrdreg $0xFFFFFFFF  }
0xad: {  	[dreg:$0x0] =	wrdreg $0x60  }
0xae: {  	[dreg:$0x2] =	wrdreg s2  }
0xaf: {  	[dreg:$0x3] =	wrdreg s24  }
0xb0: {  	[dreg:$0x4] =	wrdreg $0x19000  }
0xb1: {  	[dreg:$0x5] =	wrdreg $0x9  }
0xb2: {  	_ =	task.clear_ibuf [dreg:s7], $0x6FFFF;
	_ =	strace $0x90000046  }
0xb3: {  	s29 =	simm.s32 $0x9;
	_ =	strace $0x80000048  }
0xb4: {  	_ =	swait.ge [sflag:s29], $0x1  }
0xb5: {  	[sflag:s29] =	ssyncadd.s32 $0xFFFFFFFF  }
0xb6: {  	_ =	strace $0x90000048  }
0xb7: {  	_ =	sfence  }
0xb8: {  	s30 =	sld [smem:$0x0];
	_ =	sdelay $0x2  }
0xb9: {  	s31 =	sshll.u32 s1, $0xD;
	s1 =	sshrl.u32 s1, $0x2  }
0xba: {  	s3 =	sand.u32 $0x4000, s31;
	s1 =	sadd.s32 s1, s30  }
0xbb: {  	s0 =	sor.u32 s3, s0;
	s1 =	sshll.u32 s1, $0x11  }
0xbc: {  	s0 =	sor.u32 s1, s0  }
0xbd: {  	s0 =	sadd.s32 $0x8F2B, s0  }
0xbe: {  	[sflag:s0] =	ssyncadd.remote.s32 $0x1  }
0xbf: {  	_ =	sfence.sel $0xFFFF  }
0xc0: {  	[dreg:$0x0] =	wrdreg $0xFFFFFFFF;
	(pc) =	sbr.abs _section_cstart, $3  }
0xc1: {  	[dreg:$0x1] =	wrdreg $0xFFFFFFFF  }
0xc2: {  	_ =	task.clear_ibuf [dreg:s7], $0x2FFFF;
	_ =	strace $0x9FFFFFFF  }
0xc3: {  	(tm) =	ssettm $0x7FFFFFFF  }
tec
execute0_lowered:
.L_overlay_start_1:
0x0: {  	(tag) =	ssettag $0x1  }
0x1: {  	s5 =	rddreg [dreg:$0x0]  }
0x2: {  	s3 =	rddreg [dreg:$0x1]  }
0x3: {  	s10 =	rddreg [dreg:$0x2];
	s1 =	srdreg.scid;
	s2 =	simm.s32 $0x0  }
0x4: {  	s0 =	stileid.u32;
	s4 =	sand.u32 $0x1, s1;
	[smem:$0x7FF] =	sst s2  }
0x5: {  	s9 =	smul.u32 $0x6400, s0;
	s3 =	sadd.s32 $0x400, s3;
	s1 =	sshll.u32 s0, $0x7  }
0x6: {  	s6 =	ssub.s32 $0x2, s4;
	_ =	strace $0x80000047;
	s4 =	sshll.u32 s4, $0x4  }
0x7: {  	s5 =	sadd.s32 s5, s1;
	s7 =	sshrl.u32 s6, $0x1;
	s8 =	sor.u32 s0, s4  }
0x8: {  	s30 =	sshrl.u32 s9, $0x2;
	s9 =	simm.s32 $0x3200;
	s7 =	ssub.s32 s6, s7  }
0x9: {  	s4 =	sadd.s32 s30, s10;
	s6 =	sshll.u32 s0, $0xA;
	s8 =	smul.u32 $0x3200, s8  }
0xa: {  	s10 =	sor.u32 $0x10, s6;
	s11 =	sor.u32 $0x20, s6;
	s12 =	sor.u32 $0x30, s6  }
0xb: {  	s13 =	sor.u32 $0x40, s6;
	s14 =	sor.u32 $0x50, s6;
	s15 =	sor.u32 $0x60, s6  }
0xc: {  	s16 =	sor.u32 $0x70, s6;
	s17 =	sor.u32 $0x80, s6;
	s18 =	sor.u32 $0x90, s6  }
0xd: {  	s19 =	sor.u32 $0xA0, s6;
	s20 =	sor.u32 $0xB0, s6;
	s21 =	sor.u32 $0xC0, s6  }
0xe: {  	s22 =	sor.u32 $0xD0, s6;
	s23 =	sor.u32 $0xE0, s6;
	s24 =	sor.u32 $0xF0, s6  }
0xf: {  	s25 =	sor.u32 $0x100, s6;
	s26 =	sor.u32 $0x110, s6;
	s28 =	sor.u32 $0x120, s6  }
0x10: {  	s29 =	sor.u32 $0x140, s6;
	s30 =	sor.u32 $0x150, s6;
	s0 =	sor.u32 $0x1E0, s6  }
0x11: {  	v0 =	vlaneseq.u32;
	s1 =	sor.u32 $0x200, s6;
	s31 =	sor.u32 $0x320, s6;
	s7 =	smax.u32 s7, $0x1  }
0x12: {  	v10 =	vor.u32 s20, v0;
	v11 =	vor.u32 s21, v0;
	s20 =	sor.u32 $0x1C0, s6;
	s21 =	sor.u32 $0x1D0, s6;
	v14 =	vor.u32 s24, v0;
	s24 =	sor.u32 $0x1F0, s6  }
0x13: {  	v15 =	vor.u32 s25, v0;
	v16 =	vor.u32 s26, v0;
	v17 =	vor.u32 s28, v0;
	s25 =	sor.u32 $0x220, s6;
	s26 =	sor.u32 $0x230, s6;
	s28 =	sor.u32 $0x240, s6  }
0x14: {  	v9 =	vor.u32 s19, v0;
	v19 =	vor.u32 s29, v0;
	v20 =	vor.u32 s30, v0;
	s29 =	sor.u32 $0x260, s6;
	s30 =	sor.u32 $0x270, s6;
	s19 =	sor.u32 $0x2E0, s6  }
0x15: {  	v12 =	vor.u32 s22, v0;
	v29 =	vor.u32 s0, v0;
	s0 =	sor.u32 $0x300, s6;
	v31 =	vor.u32 s1, v0;
	s1 =	sor.u32 $0x330, s6;
	s22 =	sor.u32 $0x3E0, s6  }
0x16: {  	v1 =	vor.u32 s10, v0;
	v13 =	vor.u32 s23, v0;
	s23 =	sor.u32 $0x3F0, s6;
	v50 =	vor.u32 s31, v0;
	s31 =	stileid.u32;
	[dreg:$0x4] =	wrdreg s0  }
0x17: {  	v47 =	vor.u32 s6, v0;
	[tilespmem:$0x1FF70] =	vst v1;
	v1 =	vor.u32 s11, v0;
	s11 =	sor.u32 $0x210, s6;
	v27 =	vor.u32 s20, v0;
	s20 =	sor.u32 $0x2F0, s6;
	[dreg:$0x5] =	wrdreg s1  }
0x18: {  	v33 =	vor.u32 s25, v0;
	v34 =	vor.u32 s26, v0;
	v35 =	vor.u32 s28, v0;
	s25 =	sor.u32 $0x340, s6;
	s26 =	sor.u32 $0x350, s6;
	s28 =	sor.u32 $0x360, s6  }
0x19: {  	v30 =	vor.u32 s24, v0;
	v37 =	vor.u32 s29, v0;
	v38 =	vor.u32 s30, v0;
	s29 =	sor.u32 $0x370, s6;
	s30 =	sor.u32 $0x380, s6;
	s24 =	sor.u32 $0x3A0, s6  }
0x1a: {  	v28 =	vor.u32 s21, v0;
	s1 =	sor.u32 $0x3B0, s6;
	s0 =	sor.u32 $0x3C0, s6;
	s21 =	sor.u32 $0x3D0, s6;
	v45 =	vor.u32 s19, v0;
	v62 =	vor.u32 s22, v0  }
0x1b: {  	s19 =	sshll.u32 s31, $0x6;
	v63 =	vor.u32 s23, v0;
	s22 =	simm.s32 $0x3980;
	s23 =	simm.s32 $0x2;
	[tilespmem:$0x1FF80] =	vst v1;
	v1 =	vor.u32 s12, v0;
	v32 =	vor.u32 s11, v0  }
0x1c: {  	s12 =	sor.u32 $0x130, s6;
	s11 =	sor.u32 $0x310, s6;
	v46 =	vor.u32 s20, v0;
	s20 =	rddreg [dreg:$0x5];
	v52 =	vor.u32 s25, v0;
	v53 =	vor.u32 s26, v0  }
0x1d: {  	s10 =	sor.u32 $0x1C01, s19;
	s26 =	rddreg [dreg:$0x2];
	v54 =	vor.u32 s28, v0;
	v55 =	vor.u32 s29, v0;
	v56 =	vor.u32 s30, v0;
	s19 =	simm.s32 $0x3800  }
0x1e: {  	v58 =	vor.u32 s24, v0;
	v61 =	vor.u32 s21, v0;
	s21 =	simm.s32 $0x3900;
	s24 =	simm.s32 $0x0;
	[tilespmem:$0x1FF90] =	vst v1;
	v1 =	vor.u32 s13, v0;
	s13 =	sor.u32 $0x160, s6  }
0x1f: {  	v18 =	vor.u32 s12, v0;
	s12 =	sor.u32 $0x250, s6;
	v49 =	vor.u32 s11, v0;
	v51 =	vor.u32 s20, v0;
	s11 =	sshrl.u32 s26, $0x3;
	s20 =	simm.s32 $0x3880  }
0x20: {  	[tilespmem:$0x1FFA0] =	vst v1;
	v1 =	vor.u32 s14, v0;
	s14 =	sor.u32 $0x170, s6;
	v21 =	vor.u32 s13, v0;
	s13 =	sor.u32 $0x280, s6;
	v36 =	vor.u32 s12, v0;
	s12 =	sor.u32 $0x390, s6  }
0x21: {  	v59 =	vor.u32 s1, v0;
	[tilespmem:$0x1FFB0] =	vst v1;
	v1 =	vor.u32 s15, v0;
	s15 =	sor.u32 $0x180, s6;
	v22 =	vor.u32 s14, v0;
	s14 =	sor.u32 $0x290, s6;
	[dreg:$0x6] =	wrdreg s12  }
0x22: {  	v60 =	vor.u32 s0, v0;
	v39 =	vor.u32 s13, v0;
	s12 =	simm.s32 $0x1;
	s13 =	simm.s32 $0x80;
	[tilespmem:$0x1FFC0] =	vst v1;
	v1 =	vor.u32 s16, v0;
	s16 =	sor.u32 $0x190, s6  }
0x23: {  	v23 =	vor.u32 s15, v0;
	s15 =	sor.u32 $0x2A0, s6;
	v40 =	vor.u32 s14, v0;
	s14 =	simm.s32 $0x3600;
	s30 =	rddreg [dreg:$0x6];
	[tilespmem:$0x1FFD0] =	vst v1;
	v1 =	vor.u32 s17, v0  }
0x24: {  	s17 =	sor.u32 $0x1A0, s6;
	v24 =	vor.u32 s16, v0;
	s16 =	sor.u32 $0x2B0, s6;
	v41 =	vor.u32 s15, v0;
	[tilespmem:$0x1FFE0] =	vst v1;
	v1 =	vor.u32 s18, v0;
	s18 =	sor.u32 $0x1B0, s6  }
0x25: {  	s15 =	simm.s32 $0x3A00;
	v57 =	vor.u32 s30, v0;
	v25 =	vor.u32 s17, v0;
	s17 =	sor.u32 $0x2C0, s6;
	v26 =	vor.u32 s18, v0;
	s18 =	sor.u32 $0x2D0, s6  }
0x26: {  	v42 =	vor.u32 s16, v0;
	s16 =	simm.s32 $0x3680;
	v43 =	vor.u32 s17, v0;
	s6 =	sadd.s32 s3, s8;
	v44 =	vor.u32 s18, v0;
	s18 =	rddreg [dreg:$0x4]  }
0x27: {  	[tilespmem:$0x1FFF0] =	vst v1;
	s8 =	simm.s32 $0x3;
	s17 =	simm.s32 $0x3700;
	v1 =	vimm.f32 $1.000000000e+00;
	v48 =	vor.u32 s18, v0;
	s18 =	simm.s32 $0x3780;
	v0 =	vimm.f32 $0.0e+00  }
.LBB2_1:
0x28: {  	s25 =	simm.s32 $0x0;
	s26 =	simm.s32 $0x200  }
.LBB2_2:
0x29: {  	p0 =	sne.s32 s26, $0x6200;
	[tilespmem:s25+$0x70] =	vst v0  }
0x2a: {  	[tilespmem:s25+$0x0] =	vst v0  }
0x2b: {  	[tilespmem:s25+$0x10] =	vst v0  }
.Ltmp0:
0x2c: {  	[tilespmem:s25+$0x20] =	vst v0;
	(pc) =	sbr.rel @p0 .LBB2_2-.Ltmp0, $4  }
0x2d: {  	[tilespmem:s25+$0x30] =	vst v0  }
0x2e: {  	[tilespmem:s25+$0x40] =	vst v0  }
0x2f: {  	[tilespmem:s25+$0x50] =	vst v0  }
0x30: {  	[tilespmem:s25+$0x60] =	vst v0;
	s25 =	sshra.s32 s26, $0x2;
	s26 =	sadd.s32 $0x200, s26  }
0x31: {  	[tilespmem:s25+$0x70] =	vst v0  }
0x32: {  	[tilespmem:s25+$0x0] =	vst v0  }
0x33: {  	[tilespmem:s25+$0x10] =	vst v0  }
0x34: {  	[tilespmem:s25+$0x20] =	vst v0  }
0x35: {  	[tilespmem:s25+$0x30] =	vst v0  }
0x36: {  	[tilespmem:s25+$0x40] =	vst v0  }
0x37: {  	[tilespmem:s25+$0x50] =	vst v0  }
0x38: {  	[tilespmem:s25+$0x60] =	vst v0  }
0x39: {  	[spmem:s4] =	stream.linear.scatter [tilespmem:s2], [sflag:$0x3], $0x1900, $0x38;
	[tilespmem:$0x3A80] =	vst v63  }
0x3a: {  	_ =	swait.ge [sflag:s8], $0x1900  }
0x3b: {  	[sflag:s8] =	ssyncset.done $0x0  }
0x3c: {  	[sflag:s8] =	ssyncadd.s32 $0xFFFFE700  }
0x3d: {  	[tilespmem:s9], [sflag:$0x3] =	stream.linear.gather [hbm4b:s5+s2], $0x400, $0x38;
	[tilespmem:$0x3A80] =	vst v63  }
0x3e: {  	_ =	swait.ge [sflag:s8], $0x400  }
0x3f: {  	[sflag:s8] =	ssyncset.done $0x0  }
0x40: {  	[sflag:s8] =	ssyncadd.s32 $0xFFFFFC00  }
0x41: {  	v2 =	vld [tilespmem:$0x3200];
	_ =	sdelay $0x4  }
0x42: {  	v2 =	vshll.u32 v2, $0xE  }
0x43: {  	v3 =	vld [tilespmem:$0x3210];
	v2 =	vor.u32 v47, v2  }
0x44: {  	[tilespmem:$0x3600] =	vst v2;
	v2 =	vld [tilespmem:$0x1FF70];
	_ =	sdelay $0x3  }
0x45: {  	v3 =	vshll.u32 v3, $0xE  }
0x46: {  	v4 =	vld [tilespmem:$0x3220];
	v2 =	vor.u32 v2, v3  }
0x47: {  	[tilespmem:$0x3610] =	vst v2;
	v2 =	vld [tilespmem:$0x1FF80];
	_ =	sdelay $0x3  }
0x48: {  	v3 =	vshll.u32 v4, $0xE  }
0x49: {  	v5 =	vld [tilespmem:$0x3230];
	v2 =	vor.u32 v2, v3  }
0x4a: {  	[tilespmem:$0x3620] =	vst v2;
	v2 =	vld [tilespmem:$0x1FF90];
	_ =	sdelay $0x3  }
0x4b: {  	v3 =	vshll.u32 v5, $0xE  }
0x4c: {  	v6 =	vld [tilespmem:$0x3240];
	v2 =	vor.u32 v2, v3  }
0x4d: {  	[tilespmem:$0x3630] =	vst v2;
	v2 =	vld [tilespmem:$0x1FFA0];
	_ =	sdelay $0x3  }
0x4e: {  	v3 =	vshll.u32 v6, $0xE  }
0x4f: {  	v7 =	vld [tilespmem:$0x3250];
	v2 =	vor.u32 v2, v3  }
0x50: {  	[tilespmem:$0x3640] =	vst v2;
	v2 =	vld [tilespmem:$0x1FFB0];
	_ =	sdelay $0x3  }
0x51: {  	v3 =	vshll.u32 v7, $0xE  }
0x52: {  	v8 =	vld [tilespmem:$0x3260];
	v2 =	vor.u32 v2, v3  }
0x53: {  	[tilespmem:$0x3650] =	vst v2;
	v2 =	vld [tilespmem:$0x1FFC0];
	_ =	sdelay $0x3  }
0x54: {  	v3 =	vshll.u32 v8, $0xE  }
0x55: {  	v4 =	vld [tilespmem:$0x3270];
	v2 =	vor.u32 v2, v3  }
0x56: {  	[tilespmem:$0x3660] =	vst v2;
	v2 =	vld [tilespmem:$0x1FFD0];
	_ =	sdelay $0x3  }
0x57: {  	v3 =	vshll.u32 v4, $0xE  }
0x58: {  	v5 =	vld [tilespmem:$0x3280];
	v2 =	vor.u32 v2, v3  }
0x59: {  	[tilespmem:$0x3670] =	vst v2;
	v2 =	vld [tilespmem:$0x1FFE0];
	_ =	sdelay $0x2  }
0x5a: {  	[tilespmem:$0x3A00] =	vst v1  }
0x5b: {  	[tilespmem:$0x3A10] =	vst v1;
	v6 =	vld [tilespmem:$0x3290];
	v3 =	vshll.u32 v5, $0xE  }
0x5c: {  	[tilespmem:$0x3A20] =	vst v1;
	v7 =	vld [tilespmem:$0x32A0];
	v2 =	vor.u32 v2, v3  }
0x5d: {  	[tilespmem:$0x3680] =	vst v2;
	v2 =	vld [tilespmem:$0x1FFF0]  }
0x5e: {  	[tilespmem:$0x3A30] =	vst v1;
	v8 =	vld [tilespmem:$0x32B0]  }
0x5f: {  	[tilespmem:$0x3A40] =	vst v1;
	v4 =	vld [tilespmem:$0x32C0]  }
0x60: {  	[tilespmem:$0x3A50] =	vst v1;
	v5 =	vld [tilespmem:$0x32D0]  }
0x61: {  	[tilespmem:$0x3A60] =	vst v1;
	v3 =	vshll.u32 v6, $0xE;
	v6 =	vld [tilespmem:$0x32E0]  }
0x62: {  	[tilespmem:$0x3A70] =	vst v1;
	v2 =	vor.u32 v2, v3;
	v3 =	vshll.u32 v7, $0xE;
	v7 =	vld [tilespmem:$0x32F0]  }
0x63: {  	[tilespmem:$0x3690] =	vst v2;
	v2 =	vor.u32 v9, v3;
	v3 =	vshll.u32 v8, $0xE;
	v8 =	vld [tilespmem:$0x3300]  }
0x64: {  	[tilespmem:$0x36A0] =	vst v2;
	v2 =	vor.u32 v10, v3;
	v3 =	vshll.u32 v4, $0xE;
	v4 =	vld [tilespmem:$0x3310]  }
0x65: {  	[tilespmem:$0x36B0] =	vst v2;
	v2 =	vor.u32 v11, v3;
	v3 =	vshll.u32 v5, $0xE;
	v5 =	vld [tilespmem:$0x3320]  }
0x66: {  	[tilespmem:$0x36C0] =	vst v2;
	v2 =	vor.u32 v12, v3;
	v3 =	vshll.u32 v6, $0xE;
	v6 =	vld [tilespmem:$0x3330]  }
0x67: {  	[tilespmem:$0x36D0] =	vst v2;
	v2 =	vor.u32 v13, v3;
	v3 =	vshll.u32 v7, $0xE;
	v7 =	vld [tilespmem:$0x3340]  }
0x68: {  	[tilespmem:$0x36E0] =	vst v2;
	v2 =	vor.u32 v14, v3;
	v3 =	vshll.u32 v8, $0xE;
	v8 =	vld [tilespmem:$0x3350]  }
0x69: {  	[tilespmem:$0x36F0] =	vst v2;
	v2 =	vor.u32 v15, v3;
	v3 =	vshll.u32 v4, $0xE;
	v4 =	vld [tilespmem:$0x3360]  }
0x6a: {  	[tilespmem:$0x3700] =	vst v2;
	v2 =	vor.u32 v16, v3;
	v3 =	vshll.u32 v5, $0xE;
	v5 =	vld [tilespmem:$0x3370]  }
0x6b: {  	[tilespmem:$0x3710] =	vst v2;
	v2 =	vor.u32 v17, v3;
	v3 =	vshll.u32 v6, $0xE;
	v6 =	vld [tilespmem:$0x3380]  }
0x6c: {  	[tilespmem:$0x3720] =	vst v2;
	v2 =	vor.u32 v18, v3;
	v3 =	vshll.u32 v7, $0xE;
	v7 =	vld [tilespmem:$0x3390]  }
0x6d: {  	[tilespmem:$0x3730] =	vst v2;
	v2 =	vor.u32 v19, v3;
	v3 =	vshll.u32 v8, $0xE;
	v8 =	vld [tilespmem:$0x33A0]  }
0x6e: {  	[tilespmem:$0x3740] =	vst v2;
	v2 =	vor.u32 v20, v3;
	v3 =	vshll.u32 v4, $0xE;
	v4 =	vld [tilespmem:$0x33B0]  }
0x6f: {  	[tilespmem:$0x3750] =	vst v2;
	v2 =	vor.u32 v21, v3;
	v3 =	vshll.u32 v5, $0xE;
	v5 =	vld [tilespmem:$0x33C0]  }
0x70: {  	[tilespmem:$0x3760] =	vst v2;
	v2 =	vor.u32 v22, v3;
	v3 =	vshll.u32 v6, $0xE;
	v6 =	vld [tilespmem:$0x33D0]  }
0x71: {  	[tilespmem:$0x3770] =	vst v2;
	v2 =	vor.u32 v23, v3;
	v3 =	vshll.u32 v7, $0xE;
	v7 =	vld [tilespmem:$0x33E0]  }
0x72: {  	[tilespmem:$0x3780] =	vst v2;
	v2 =	vor.u32 v24, v3;
	v3 =	vshll.u32 v8, $0xE;
	v8 =	vld [tilespmem:$0x33F0]  }
0x73: {  	[tilespmem:$0x3790] =	vst v2;
	v2 =	vor.u32 v25, v3;
	v3 =	vshll.u32 v4, $0xE;
	v4 =	vld [tilespmem:$0x3400]  }
0x74: {  	[tilespmem:$0x37A0] =	vst v2;
	v2 =	vor.u32 v26, v3;
	v3 =	vshll.u32 v5, $0xE;
	v5 =	vld [tilespmem:$0x3410]  }
0x75: {  	[tilespmem:$0x37B0] =	vst v2;
	v2 =	vor.u32 v27, v3;
	v3 =	vshll.u32 v6, $0xE;
	v6 =	vld [tilespmem:$0x3420]  }
0x76: {  	[tilespmem:$0x37C0] =	vst v2;
	v2 =	vor.u32 v28, v3;
	v3 =	vshll.u32 v7, $0xE;
	v7 =	vld [tilespmem:$0x3430]  }
0x77: {  	[tilespmem:$0x37D0] =	vst v2;
	v2 =	vor.u32 v29, v3;
	v3 =	vshll.u32 v8, $0xE;
	v8 =	vld [tilespmem:$0x3440]  }
0x78: {  	[tilespmem:$0x37E0] =	vst v2;
	v2 =	vor.u32 v30, v3;
	v3 =	vshll.u32 v4, $0xE;
	v4 =	vld [tilespmem:$0x3450]  }
0x79: {  	[tilespmem:$0x37F0] =	vst v2;
	v2 =	vor.u32 v31, v3;
	v3 =	vshll.u32 v5, $0xE;
	v5 =	vld [tilespmem:$0x3460]  }
0x7a: {  	[tilespmem:$0x3800] =	vst v2;
	v2 =	vor.u32 v32, v3;
	v3 =	vshll.u32 v6, $0xE;
	v6 =	vld [tilespmem:$0x3470]  }
0x7b: {  	[tilespmem:$0x3810] =	vst v2;
	v2 =	vor.u32 v33, v3;
	v3 =	vshll.u32 v7, $0xE;
	v7 =	vld [tilespmem:$0x3480]  }
0x7c: {  	[tilespmem:$0x3820] =	vst v2;
	v2 =	vor.u32 v34, v3;
	v3 =	vshll.u32 v8, $0xE;
	v8 =	vld [tilespmem:$0x3490]  }
0x7d: {  	[tilespmem:$0x3830] =	vst v2;
	v2 =	vor.u32 v35, v3;
	v3 =	vshll.u32 v4, $0xE;
	v4 =	vld [tilespmem:$0x34A0]  }
0x7e: {  	[tilespmem:$0x3840] =	vst v2;
	v2 =	vor.u32 v36, v3;
	v3 =	vshll.u32 v5, $0xE;
	v5 =	vld [tilespmem:$0x34B0]  }
0x7f: {  	[tilespmem:$0x3850] =	vst v2;
	v2 =	vor.u32 v37, v3;
	v3 =	vshll.u32 v6, $0xE;
	v6 =	vld [tilespmem:$0x34C0]  }
0x80: {  	[tilespmem:$0x3860] =	vst v2;
	v2 =	vor.u32 v38, v3;
	v3 =	vshll.u32 v7, $0xE;
	v7 =	vld [tilespmem:$0x34D0]  }
0x81: {  	[tilespmem:$0x3870] =	vst v2;
	v2 =	vor.u32 v39, v3;
	v3 =	vshll.u32 v8, $0xE;
	v8 =	vld [tilespmem:$0x34E0]  }
0x82: {  	[tilespmem:$0x3880] =	vst v2;
	v2 =	vor.u32 v40, v3;
	v3 =	vshll.u32 v4, $0xE;
	v4 =	vld [tilespmem:$0x34F0]  }
0x83: {  	[tilespmem:$0x3890] =	vst v2;
	v2 =	vor.u32 v41, v3;
	v3 =	vshll.u32 v5, $0xE;
	v5 =	vld [tilespmem:$0x3500]  }
0x84: {  	[tilespmem:$0x38A0] =	vst v2;
	v2 =	vor.u32 v42, v3;
	v3 =	vshll.u32 v6, $0xE;
	v6 =	vld [tilespmem:$0x3510]  }
0x85: {  	[tilespmem:$0x38B0] =	vst v2;
	v2 =	vor.u32 v43, v3;
	v3 =	vshll.u32 v7, $0xE;
	v7 =	vld [tilespmem:$0x3520]  }
0x86: {  	[tilespmem:$0x38C0] =	vst v2;
	v2 =	vor.u32 v44, v3;
	v3 =	vshll.u32 v8, $0xE;
	v8 =	vld [tilespmem:$0x3530]  }
0x87: {  	[tilespmem:$0x38D0] =	vst v2;
	v2 =	vor.u32 v45, v3;
	v3 =	vshll.u32 v4, $0xE;
	v4 =	vld [tilespmem:$0x3540]  }
0x88: {  	[tilespmem:$0x38E0] =	vst v2;
	v2 =	vor.u32 v46, v3;
	v3 =	vshll.u32 v5, $0xE;
	v5 =	vld [tilespmem:$0x3550]  }
0x89: {  	[tilespmem:$0x38F0] =	vst v2;
	v2 =	vor.u32 v48, v3;
	v3 =	vshll.u32 v6, $0xE;
	v6 =	vld [tilespmem:$0x3560]  }
0x8a: {  	[tilespmem:$0x3900] =	vst v2;
	v2 =	vor.u32 v49, v3;
	v3 =	vshll.u32 v7, $0xE;
	v7 =	vld [tilespmem:$0x3570]  }
0x8b: {  	[tilespmem:$0x3910] =	vst v2;
	v2 =	vor.u32 v50, v3;
	v3 =	vshll.u32 v8, $0xE;
	v8 =	vld [tilespmem:$0x3580]  }
0x8c: {  	[tilespmem:$0x3920] =	vst v2;
	v2 =	vor.u32 v51, v3;
	v3 =	vshll.u32 v4, $0xE;
	v4 =	vld [tilespmem:$0x3590]  }
0x8d: {  	[tilespmem:$0x3930] =	vst v2;
	v2 =	vor.u32 v52, v3;
	v3 =	vshll.u32 v5, $0xE;
	v5 =	vld [tilespmem:$0x35A0]  }
0x8e: {  	[tilespmem:$0x3940] =	vst v2;
	v2 =	vor.u32 v53, v3;
	v3 =	vshll.u32 v6, $0xE;
	v6 =	vld [tilespmem:$0x35B0]  }
0x8f: {  	[tilespmem:$0x3950] =	vst v2;
	v2 =	vor.u32 v54, v3;
	v3 =	vshll.u32 v7, $0xE;
	v7 =	vld [tilespmem:$0x35C0]  }
0x90: {  	[tilespmem:$0x3960] =	vst v2;
	v2 =	vor.u32 v55, v3;
	v3 =	vshll.u32 v8, $0xE;
	v8 =	vld [tilespmem:$0x35D0]  }
0x91: {  	[tilespmem:$0x3970] =	vst v2;
	v2 =	vor.u32 v56, v3;
	v3 =	vshll.u32 v4, $0xE;
	v4 =	vld [tilespmem:$0x35E0]  }
0x92: {  	[tilespmem:$0x3980] =	vst v2;
	v2 =	vor.u32 v57, v3;
	v3 =	vshll.u32 v5, $0xE;
	v5 =	vld [tilespmem:$0x35F0]  }
0x93: {  	[tilespmem:$0x3990] =	vst v2;
	v2 =	vor.u32 v58, v3;
	v3 =	vshll.u32 v6, $0xE  }
0x94: {  	[tilespmem:$0x39A0] =	vst v2;
	v2 =	vor.u32 v59, v3;
	v3 =	vshll.u32 v7, $0xE  }
0x95: {  	[tilespmem:$0x39B0] =	vst v2;
	v2 =	vor.u32 v60, v3;
	v3 =	vshll.u32 v8, $0xE  }
0x96: {  	[tilespmem:$0x39C0] =	vst v2;
	v2 =	vor.u32 v61, v3;
	v3 =	vshll.u32 v4, $0xE  }
0x97: {  	[tilespmem:$0x39D0] =	vst v2;
	v2 =	vor.u32 v62, v3;
	v3 =	vshll.u32 v5, $0xE  }
0x98: {  	[tilespmem:$0x39E0] =	vst v2;
	v2 =	vor.u32 v63, v3  }
0x99: {  	[tilespmem:$0x39F0] =	vst v2  }
0x9a: {  	[bflag:$0x0] =	sbarrier.arrive $0xFFFF  }
0x9b: {  	[hbm:s6], [sflag:s10] =	dma.local [spmem:s11], $0x3200  }
0x9c: {  	_ =	swait.ge [sflag:s12], $0x3200  }
0x9d: {  	[sflag:s12] =	ssyncset.done $0x0  }
0x9e: {  	[sflag:s12] =	ssyncadd.s32 $0xFFFFCE00  }
0x9f: {  	[bflag:$0x0] =	sbarrier.arrive $0xFFFF  }
0xa0: {  	[hbm4b:s3+s13] =	stream.indirect.scatter [tilespmem:s15], [sflag:$0x2], $0x1, s14, s13, $0xb8;
	[tilespmem:$0x3A80] =	vst v63  }
0xa1: {  	_ = 	snop  }
0xa2: {  	[hbm4b:s3+s13] =	stream.indirect.scatter [tilespmem:s15], [sflag:$0x2], $0x1, s16, s13, $0xb8;
	[tilespmem:$0x3A80] =	vst v63  }
0xa3: {  	_ = 	snop  }
0xa4: {  	[hbm4b:s3+s13] =	stream.indirect.scatter [tilespmem:s15], [sflag:$0x2], $0x1, s17, s13, $0xb8;
	[tilespmem:$0x3A80] =	vst v63  }
0xa5: {  	_ = 	snop  }
0xa6: {  	[hbm4b:s3+s13] =	stream.indirect.scatter [tilespmem:s15], [sflag:$0x2], $0x1, s18, s13, $0xb8;
	[tilespmem:$0x3A80] =	vst v63  }
0xa7: {  	_ = 	snop  }
0xa8: {  	[hbm4b:s3+s13] =	stream.indirect.scatter [tilespmem:s15], [sflag:$0x2], $0x1, s19, s13, $0xb8;
	[tilespmem:$0x3A80] =	vst v63  }
0xa9: {  	_ = 	snop  }
0xaa: {  	[hbm4b:s3+s13] =	stream.indirect.scatter [tilespmem:s15], [sflag:$0x2], $0x1, s20, s13, $0xb8;
	[tilespmem:$0x3A80] =	vst v63  }
0xab: {  	_ = 	snop  }
0xac: {  	[hbm4b:s3+s13] =	stream.indirect.scatter [tilespmem:s15], [sflag:$0x2], $0x1, s21, s13, $0xb8;
	[tilespmem:$0x3A80] =	vst v63  }
0xad: {  	_ = 	snop  }
0xae: {  	[hbm4b:s3+s13] =	stream.indirect.scatter [tilespmem:s15], [sflag:$0x2], $0x1, s22, s13, $0xb8;
	[tilespmem:$0x3A80] =	vst v63  }
0xaf: {  	_ =	swait.ge [sflag:s23], $0x80  }
0xb0: {  	[sflag:s23] =	ssyncset.done $0x0  }
0xb1: {  	[sflag:s23] =	ssyncadd.s32 $0xFFFFFF80  }
0xb2: {  	_ =	swait.ge [sflag:s23], $0x80  }
0xb3: {  	[sflag:s23] =	ssyncset.done $0x0  }
0xb4: {  	[sflag:s23] =	ssyncadd.s32 $0xFFFFFF80  }
0xb5: {  	_ =	swait.ge [sflag:s23], $0x80  }
0xb6: {  	[sflag:s23] =	ssyncset.done $0x0  }
0xb7: {  	[sflag:s23] =	ssyncadd.s32 $0xFFFFFF80  }
0xb8: {  	_ =	swait.ge [sflag:s23], $0x80  }
0xb9: {  	[sflag:s23] =	ssyncset.done $0x0  }
0xba: {  	[sflag:s23] =	ssyncadd.s32 $0xFFFFFF80  }
0xbb: {  	_ =	swait.ge [sflag:s23], $0x80  }
0xbc: {  	[sflag:s23] =	ssyncset.done $0x0  }
0xbd: {  	[sflag:s23] =	ssyncadd.s32 $0xFFFFFF80  }
0xbe: {  	_ =	swait.ge [sflag:s23], $0x80  }
0xbf: {  	[sflag:s23] =	ssyncset.done $0x0  }
0xc0: {  	s24 =	sadd.s32 $0x1, s24;
	[sflag:s23] =	ssyncadd.s32 $0xFFFFFF80  }
0xc1: {  	p0 =	sne.s32 s24, s7;
	_ =	swait.ge [sflag:s23], $0x80  }
.Ltmp1:
0xc2: {  	[sflag:s23] =	ssyncset.done $0x0;
	(pc) =	sbr.rel @p0 .LBB2_1-.Ltmp1, $4  }
0xc3: {  	[sflag:s23] =	ssyncadd.s32 $0xFFFFFF80  }
0xc4: {  	_ =	swait.ge [sflag:s23], $0x80  }
0xc5: {  	[sflag:s23] =	ssyncset.done $0x0  }
0xc6: {  	[sflag:s23] =	ssyncadd.s32 $0xFFFFFF80  }
0xc7: {  	_ =	sfence.sel $0x180000  }
0xc8: {  	[bflag:$0x0] =	sbarrier.arrive $0xFFFF  }
0xc9: {  	_ =	strace $0x90000047  }
0xca: {  	[bflag:$0x2] =	sbarrier.arrive $0xFFFF  }
0xcb: {  	p0 =	sne.s32 s31, $0x0;
	s0 =	rddreg [dreg:$0x3]  }
0xcc: {  	s0 =	sadd.s32 @!p0 $0x100000, s0  }
0xcd: {  	[sflag:s0] =	ssyncadd.tile.s32 @!p0 $0x1;
	_ =	shalt  }
.Lfunc_end2:
_tile_overlayer_lowered:
.L_overlay_start_2:
0xce: {  	(tag) =	ssettag $0x2  }
0xcf: {  	s0 =	rddreg [dreg:$0x0];
	s2 =	stileid.u32  }
0xd0: {  	s1 =	rddreg [dreg:$0x1];
	p0 =	sne.s32 s2, $0x0  }
0xd1: {  	s3 =	rddreg [dreg:$0x2];
	[bflag:$0x3] =	sbarrier.arrive $0xFFFF;
	s2 =	simm.s32 @!p0 $0x1C03  }
0xd2: {  	[timem:s3], [sflag:s2] =	dma.local @!p0 [hbm:s0], s1  }
0xd3: {  	s0 =	simm.s32 @!p0 $0x3  }
0xd4: {  	_ =	swait.ge @!p0 [sflag:s0], s1  }
0xd5: {  	s1 =	ssub.s32 @!p0 $0x0, s1;
	[sflag:s0] =	ssyncset.done @!p0 $0x0  }
0xd6: {  	[sflag:s0] =	ssyncadd.s32 @!p0 s1  }
0xd7: {  	[bflag:$0x3] =	sbarrier.arrive $0xFFFF  }
0xd8: {  	_ =	shalt  }

</sc_bundles>
